<compile_context>
chip_gen: v7x
topology: tpu7x:2x2x1
jax: 0.10.2.dev20260603
libtpu: 0.0.44.dev20260713+nightly
codegen_flags: <defaults>
</compile_context>

<pallas_src>
import functools

import jax
import jax.numpy as jnp
from jax import lax
from jax.experimental import pallas as pl
from jax.experimental.pallas import tpu as pltpu
from jax.experimental.pallas import tpu_sc as plsc

_VOCAB = 1000
_BINS = 1024
_BSZ = 16
_SEQ = 2048
_L = 16
_PAT = 1024


def _sc_majority(ids_hbm, rows_hbm, tok_ref, counts_ref, pat_ref):
    wid = lax.axis_index("s") * 2 + lax.axis_index("c")

    @pl.when(wid < _BSZ)
    def _():
        lane = lax.iota(jnp.int32, _L)
        zeros = jnp.zeros((_L,), jnp.float32)
        ones = jnp.ones((_L,), jnp.float32)

        pltpu.sync_copy(ids_hbm.at[wid], tok_ref)

        def zero_body(k, c):
            counts_ref[pl.ds(k * _L, _L)] = zeros
            return c

        lax.fori_loop(0, _BINS // _L, zero_body, 0, unroll=16)
        counts_ref[pl.ds(0, _L)] = jnp.where(lane == 1, 0.5, 0.0).astype(
            jnp.float32)

        def scat_body(i, c):
            tok = tok_ref[pl.ds(i * _L, _L)]
            valid = (tok != 0) & (tok != 1)
            plsc.addupdate_scatter(counts_ref, [tok], ones, mask=valid)
            return c

        lax.fori_loop(0, _SEQ // _L, scat_body, 0, unroll=8)

        def red_body(j, carry):
            bv, bi = carry
            v = counts_ref[pl.ds(j * _L, _L)]
            idv = j * _L + lane
            upd = v > bv
            return jnp.where(upd, v, bv), jnp.where(upd, idv, bi)

        bv0 = jnp.full((_L,), -1.0, jnp.float32)
        bi0 = jnp.zeros((_L,), jnp.int32)
        bv, bi = lax.fori_loop(0, _BINS // _L, red_body, (bv0, bi0), unroll=4)

        m = jnp.max(bv)
        cand = jnp.where(bv == m, bi, jnp.int32(1 << 30))
        p = jnp.min(cand)

        neg = jnp.full((_L,), -6.0, jnp.float32)
        for s in range(_PAT // _L):
            pat_ref[pl.ds(s * _L, _L)] = neg
        plsc.store_scatter(
            pat_ref, [jnp.full((_L,), p, jnp.int32)],
            jnp.full((_L,), 6.0, jnp.float32), mask=lane == 0)

        pltpu.sync_copy(pat_ref, rows_hbm.at[pl.ds(wid * _PAT, _PAT)])


_sc_rows = functools.partial(
    pl.kernel,
    mesh=plsc.VectorSubcoreMesh(core_axis_name="c", subcore_axis_name="s"),
    out_type=jax.ShapeDtypeStruct((_BSZ * _PAT,), jnp.float32),
    compiler_params=pltpu.CompilerParams(needs_layout_passes=False),
    scratch_types=[
        pltpu.VMEM((_SEQ,), jnp.int32),
        pltpu.VMEM((_BINS,), jnp.float32),
        pltpu.VMEM((_PAT,), jnp.float32),
    ],
)(_sc_majority)


@jax.jit
def kernel(input_ids):
    flat = _sc_rows(input_ids)
    rows = flat.reshape(_BSZ, _PAT)[:, :_VOCAB]
    return jnp.broadcast_to(rows[:, None, :], (_BSZ, _SEQ, _VOCAB))

# --- scband reference (transcript-rebuilt; emitter-appended) ---
"""Pipeline reference for scband-majority-doc-model-46995532153209 (READ-ONLY COPY).

The authoritative reference and input builder live on the scoring server;
editing this copy changes nothing except your own understanding.
"""

import jax, jax.numpy as jnp
import numpy as np

VOCAB_SIZE = 1000
BOS_ID = 1


def setup_inputs(seed: int = 0) -> dict:
    key = jax.random.key(seed)
    input_ids = jax.random.randint(key, (16, 2048), 0, VOCAB_SIZE, dtype=jnp.int32)
    return {"input_ids": input_ids}


def reference(input_ids):
    bsz, seqlen = input_ids.shape
    # valid tokens: not pad (0) and not bos
    mask = (input_ids != 0) & (input_ids != BOS_ID)
    weights = mask.astype(jnp.float32)
    # per-row histogram over vocab (torch.bincount with minlength=vocab_size)
    counts = jax.vmap(lambda row, w: jnp.bincount(row, weights=w, length=VOCAB_SIZE))(input_ids, weights)
    has_valid = mask.any(axis=1)
    pred = jnp.where(has_valid, jnp.argmax(counts, axis=1), BOS_ID)
    # logits: -6 everywhere, +6 at the majority token, broadcast along seq
    onehot = (jnp.arange(VOCAB_SIZE)[None, None, :] == pred[:, None, None])
    logits = jnp.where(onehot, jnp.float32(6.0), jnp.float32(-6.0))
    logits = jnp.broadcast_to(logits, (bsz, seqlen, VOCAB_SIZE))
    return logits

if __name__ == "__main__":
    import jax
    _d = setup_inputs()
    print(jax.jit(kernel)(*tuple(_d.values())))

</pallas_src>

<mosaic_0001>
#map = affine_map<(d0, d1) -> (0, 0)>
#map1 = affine_map<(d0, d1) -> (0)>
module attributes {stable_mosaic.version = 14 : i64} {
  func.func @_sc_majority(%arg0: i32, %arg1: i32, %arg2: memref<16x2048xi32, #tpu.memory_space<hbm>>, %arg3: memref<16384xf32, #tpu.memory_space<hbm>>, %arg4: memref<2048xi32, #tpu.memory_space<vmem>>, %arg5: memref<1024xf32, #tpu.memory_space<vmem>>, %arg6: memref<1024xf32, #tpu.memory_space<vmem>>) attributes {dimension_semantics = [#tpu.dimension_semantics<core_parallel>, #tpu.dimension_semantics<subcore_parallel>], iteration_bounds = array<i64: 2, 16>, scalar_prefetch = 0 : i64, scratch_operands = 3 : i64, tpu.core_type = #tpu.core_type<sc_vector_subcore>, window_params = [{transform_indices = #map}, {transform_indices = #map1}]} {
    %mul3A = arith.constant 2 : i32
    %mul3A_0 = arith.muli %arg1, %mul3A : i32
    %add3A = arith.addi %mul3A_0, %arg0 : i32
    %lt3A = arith.constant 16 : i32
    %lt3A_1 = arith.cmpi slt, %add3A, %lt3A : i32
    %convert_element_type3A = arith.extui %lt3A_1 : i1 to i32
    %cond3A = arith.constant 0 : i32
    %cond3A_2 = arith.cmpi ne, %convert_element_type3A, %cond3A : i32
    scf.if %cond3A_2 {
      %iota3A = tpu.iota {dimensions = array<i32: 0>} : vector<16xi32>
      %broadcast_in_dim3A = arith.constant 0.000000e+00 : f32
      %broadcast_in_dim3A_3 = vector.broadcast %broadcast_in_dim3A : f32 to vector<16xf32>
      %broadcast_in_dim3A_4 = arith.constant 1.000000e+00 : f32
      %broadcast_in_dim3A_5 = vector.broadcast %broadcast_in_dim3A_4 : f32 to vector<16xf32>
      "tpu.region"() ({
        %run_scoped3A = tpu.sem_alloc : memref<!tpu.dma_semaphore, #tpu.memory_space<semaphore_mem>>
        %dma_start3A = arith.constant 0 : i32
        %dma_start3A_186 = tpu.memref_slice %arg2[%add3A, %dma_start3A] : memref<16x2048xi32, #tpu.memory_space<hbm>> -> memref<1x2048xi32, #tpu.memory_space<hbm>>
        %dma_start3A_187 = tpu.memref_squeeze %dma_start3A_186 : memref<1x2048xi32, #tpu.memory_space<hbm>> -> memref<2048xi32, #tpu.memory_space<hbm>>
        %dma_start3A_188 = arith.constant 0 : i32
        %dma_start3A_189 = tpu.memref_slice %arg2[%add3A, %dma_start3A_188] : memref<16x2048xi32, #tpu.memory_space<hbm>> -> memref<1x2048xi32, #tpu.memory_space<hbm>>
        %dma_start3A_190 = tpu.memref_squeeze %dma_start3A_189 : memref<1x2048xi32, #tpu.memory_space<hbm>> -> memref<2048xi32, #tpu.memory_space<hbm>>
        tpu.enqueue_dma source(%dma_start3A_190 : memref<2048xi32, #tpu.memory_space<hbm>>) target(%arg4 : memref<2048xi32, #tpu.memory_space<vmem>>) target_semaphore(%run_scoped3A : memref<!tpu.dma_semaphore, #tpu.memory_space<semaphore_mem>>)
        %dma_wait3A = arith.constant 0 : i32
        %dma_wait3A_191 = tpu.memref_slice %arg2[%add3A, %dma_wait3A] : memref<16x2048xi32, #tpu.memory_space<hbm>> -> memref<1x2048xi32, #tpu.memory_space<hbm>>
        %dma_wait3A_192 = tpu.memref_squeeze %dma_wait3A_191 : memref<1x2048xi32, #tpu.memory_space<hbm>> -> memref<2048xi32, #tpu.memory_space<hbm>>
        %dma_wait3A_193 = arith.constant 0 : i32
        %dma_wait3A_194 = tpu.memref_slice %arg2[%add3A, %dma_wait3A_193] : memref<16x2048xi32, #tpu.memory_space<hbm>> -> memref<1x2048xi32, #tpu.memory_space<hbm>>
        %dma_wait3A_195 = tpu.memref_squeeze %dma_wait3A_194 : memref<1x2048xi32, #tpu.memory_space<hbm>> -> memref<2048xi32, #tpu.memory_space<hbm>>
        tpu.wait_dma2 semaphore(%run_scoped3A : memref<!tpu.dma_semaphore, #tpu.memory_space<semaphore_mem>>) src(%dma_wait3A_195 : memref<2048xi32, #tpu.memory_space<hbm>>) dst(%arg4 : memref<2048xi32, #tpu.memory_space<vmem>>)
        tpu.yield
      }) : () -> ()
      %scan3A = arith.constant 0 : i32
      %scan3A_6 = arith.constant 0 : i32
      %scan3A_7 = arith.constant 64 : i32
      %scan3A_8 = arith.addi %scan3A_6, %scan3A_7 : i32
      %scan3A_9 = arith.constant 16 : i32
      scf.for %scan3A_186 = %scan3A_6 to %scan3A_8 step %scan3A_9  : i32 {
        %mul3A_187 = arith.constant 16 : i32
        %mul3A_188 = arith.muli %scan3A_186, %mul3A_187 : i32
        %swap3A_189 = arith.index_cast %mul3A_188 : i32 to index
        %swap3A_190 = tpu.vector_load %arg5[%swap3A_189] {strides = array<i32>} : memref<1024xf32, #tpu.memory_space<vmem>>, vector<16xf32>,
        tpu.vector_store %arg5[%swap3A_189], %broadcast_in_dim3A_3 {strides = array<i32>} : memref<1024xf32, #tpu.memory_space<vmem>>, vector<16xf32>,
        %scan3A_191 = arith.constant 1 : i32
        %scan3A_192 = arith.addi %scan3A_186, %scan3A_191 : i32
        %mul3A_193 = arith.constant 16 : i32
        %mul3A_194 = arith.muli %scan3A_192, %mul3A_193 : i32
        %swap3A_195 = arith.index_cast %mul3A_194 : i32 to index
        %swap3A_196 = tpu.vector_load %arg5[%swap3A_195] {strides = array<i32>} : memref<1024xf32, #tpu.memory_space<vmem>>, vector<16xf32>,
        tpu.vector_store %arg5[%swap3A_195], %broadcast_in_dim3A_3 {strides = array<i32>} : memref<1024xf32, #tpu.memory_space<vmem>>, vector<16xf32>,
        %scan3A_197 = arith.constant 2 : i32
        %scan3A_198 = arith.addi %scan3A_186, %scan3A_197 : i32
        %mul3A_199 = arith.constant 16 : i32
        %mul3A_200 = arith.muli %scan3A_198, %mul3A_199 : i32
        %swap3A_201 = arith.index_cast %mul3A_200 : i32 to index
        %swap3A_202 = tpu.vector_load %arg5[%swap3A_201] {strides = array<i32>} : memref<1024xf32, #tpu.memory_space<vmem>>, vector<16xf32>,
        tpu.vector_store %arg5[%swap3A_201], %broadcast_in_dim3A_3 {strides = array<i32>} : memref<1024xf32, #tpu.memory_space<vmem>>, vector<16xf32>,
        %scan3A_203 = arith.constant 3 : i32
        %scan3A_204 = arith.addi %scan3A_186, %scan3A_203 : i32
        %mul3A_205 = arith.constant 16 : i32
        %mul3A_206 = arith.muli %scan3A_204, %mul3A_205 : i32
        %swap3A_207 = arith.index_cast %mul3A_206 : i32 to index
        %swap3A_208 = tpu.vector_load %arg5[%swap3A_207] {strides = array<i32>} : memref<1024xf32, #tpu.memory_space<vmem>>, vector<16xf32>,
        tpu.vector_store %arg5[%swap3A_207], %broadcast_in_dim3A_3 {strides = array<i32>} : memref<1024xf32, #tpu.memory_space<vmem>>, vector<16xf32>,
        %scan3A_209 = arith.constant 4 : i32
        %scan3A_210 = arith.addi %scan3A_186, %scan3A_209 : i32
        %mul3A_211 = arith.constant 16 : i32
        %mul3A_212 = arith.muli %scan3A_210, %mul3A_211 : i32
        %swap3A_213 = arith.index_cast %mul3A_212 : i32 to index
        %swap3A_214 = tpu.vector_load %arg5[%swap3A_213] {strides = array<i32>} : memref<1024xf32, #tpu.memory_space<vmem>>, vector<16xf32>,
        tpu.vector_store %arg5[%swap3A_213], %broadcast_in_dim3A_3 {strides = array<i32>} : memref<1024xf32, #tpu.memory_space<vmem>>, vector<16xf32>,
        %scan3A_215 = arith.constant 5 : i32
        %scan3A_216 = arith.addi %scan3A_186, %scan3A_215 : i32
        %mul3A_217 = arith.constant 16 : i32
        %mul3A_218 = arith.muli %scan3A_216, %mul3A_217 : i32
        %swap3A_219 = arith.index_cast %mul3A_218 : i32 to index
        %swap3A_220 = tpu.vector_load %arg5[%swap3A_219] {strides = array<i32>} : memref<1024xf32, #tpu.memory_space<vmem>>, vector<16xf32>,
        tpu.vector_store %arg5[%swap3A_219], %broadcast_in_dim3A_3 {strides = array<i32>} : memref<1024xf32, #tpu.memory_space<vmem>>, vector<16xf32>,
        %scan3A_221 = arith.constant 6 : i32
        %scan3A_222 = arith.addi %scan3A_186, %scan3A_221 : i32
        %mul3A_223 = arith.constant 16 : i32
        %mul3A_224 = arith.muli %scan3A_222, %mul3A_223 : i32
        %swap3A_225 = arith.index_cast %mul3A_224 : i32 to index
        %swap3A_226 = tpu.vector_load %arg5[%swap3A_225] {strides = array<i32>} : memref<1024xf32, #tpu.memory_space<vmem>>, vector<16xf32>,
        tpu.vector_store %arg5[%swap3A_225], %broadcast_in_dim3A_3 {strides = array<i32>} : memref<1024xf32, #tpu.memory_space<vmem>>, vector<16xf32>,
        %scan3A_227 = arith.constant 7 : i32
        %scan3A_228 = arith.addi %scan3A_186, %scan3A_227 : i32
        %mul3A_229 = arith.constant 16 : i32
        %mul3A_230 = arith.muli %scan3A_228, %mul3A_229 : i32
        %swap3A_231 = arith.index_cast %mul3A_230 : i32 to index
        %swap3A_232 = tpu.vector_load %arg5[%swap3A_231] {strides = array<i32>} : memref<1024xf32, #tpu.memory_space<vmem>>, vector<16xf32>,
        tpu.vector_store %arg5[%swap3A_231], %broadcast_in_dim3A_3 {strides = array<i32>} : memref<1024xf32, #tpu.memory_space<vmem>>, vector<16xf32>,
        %scan3A_233 = arith.constant 8 : i32
        %scan3A_234 = arith.addi %scan3A_186, %scan3A_233 : i32
        %mul3A_235 = arith.constant 16 : i32
        %mul3A_236 = arith.muli %scan3A_234, %mul3A_235 : i32
        %swap3A_237 = arith.index_cast %mul3A_236 : i32 to index
        %swap3A_238 = tpu.vector_load %arg5[%swap3A_237] {strides = array<i32>} : memref<1024xf32, #tpu.memory_space<vmem>>, vector<16xf32>,
        tpu.vector_store %arg5[%swap3A_237], %broadcast_in_dim3A_3 {strides = array<i32>} : memref<1024xf32, #tpu.memory_space<vmem>>, vector<16xf32>,
        %scan3A_239 = arith.constant 9 : i32
        %scan3A_240 = arith.addi %scan3A_186, %scan3A_239 : i32
        %mul3A_241 = arith.constant 16 : i32
        %mul3A_242 = arith.muli %scan3A_240, %mul3A_241 : i32
        %swap3A_243 = arith.index_cast %mul3A_242 : i32 to index
        %swap3A_244 = tpu.vector_load %arg5[%swap3A_243] {strides = array<i32>} : memref<1024xf32, #tpu.memory_space<vmem>>, vector<16xf32>,
        tpu.vector_store %arg5[%swap3A_243], %broadcast_in_dim3A_3 {strides = array<i32>} : memref<1024xf32, #tpu.memory_space<vmem>>, vector<16xf32>,
        %scan3A_245 = arith.constant 10 : i32
        %scan3A_246 = arith.addi %scan3A_186, %scan3A_245 : i32
        %mul3A_247 = arith.constant 16 : i32
        %mul3A_248 = arith.muli %scan3A_246, %mul3A_247 : i32
        %swap3A_249 = arith.index_cast %mul3A_248 : i32 to index
        %swap3A_250 = tpu.vector_load %arg5[%swap3A_249] {strides = array<i32>} : memref<1024xf32, #tpu.memory_space<vmem>>, vector<16xf32>,
        tpu.vector_store %arg5[%swap3A_249], %broadcast_in_dim3A_3 {strides = array<i32>} : memref<1024xf32, #tpu.memory_space<vmem>>, vector<16xf32>,
        %scan3A_251 = arith.constant 11 : i32
        %scan3A_252 = arith.addi %scan3A_186, %scan3A_251 : i32
        %mul3A_253 = arith.constant 16 : i32
        %mul3A_254 = arith.muli %scan3A_252, %mul3A_253 : i32
        %swap3A_255 = arith.index_cast %mul3A_254 : i32 to index
        %swap3A_256 = tpu.vector_load %arg5[%swap3A_255] {strides = array<i32>} : memref<1024xf32, #tpu.memory_space<vmem>>, vector<16xf32>,
        tpu.vector_store %arg5[%swap3A_255], %broadcast_in_dim3A_3 {strides = array<i32>} : memref<1024xf32, #tpu.memory_space<vmem>>, vector<16xf32>,
        %scan3A_257 = arith.constant 12 : i32
        %scan3A_258 = arith.addi %scan3A_186, %scan3A_257 : i32
        %mul3A_259 = arith.constant 16 : i32
        %mul3A_260 = arith.muli %scan3A_258, %mul3A_259 : i32
        %swap3A_261 = arith.index_cast %mul3A_260 : i32 to index
        %swap3A_262 = tpu.vector_load %arg5[%swap3A_261] {strides = array<i32>} : memref<1024xf32, #tpu.memory_space<vmem>>, vector<16xf32>,
        tpu.vector_store %arg5[%swap3A_261], %broadcast_in_dim3A_3 {strides = array<i32>} : memref<1024xf32, #tpu.memory_space<vmem>>, vector<16xf32>,
        %scan3A_263 = arith.constant 13 : i32
        %scan3A_264 = arith.addi %scan3A_186, %scan3A_263 : i32
        %mul3A_265 = arith.constant 16 : i32
        %mul3A_266 = arith.muli %scan3A_264, %mul3A_265 : i32
        %swap3A_267 = arith.index_cast %mul3A_266 : i32 to index
        %swap3A_268 = tpu.vector_load %arg5[%swap3A_267] {strides = array<i32>} : memref<1024xf32, #tpu.memory_space<vmem>>, vector<16xf32>,
        tpu.vector_store %arg5[%swap3A_267], %broadcast_in_dim3A_3 {strides = array<i32>} : memref<1024xf32, #tpu.memory_space<vmem>>, vector<16xf32>,
        %scan3A_269 = arith.constant 14 : i32
        %scan3A_270 = arith.addi %scan3A_186, %scan3A_269 : i32
        %mul3A_271 = arith.constant 16 : i32
        %mul3A_272 = arith.muli %scan3A_270, %mul3A_271 : i32
        %swap3A_273 = arith.index_cast %mul3A_272 : i32 to index
        %swap3A_274 = tpu.vector_load %arg5[%swap3A_273] {strides = array<i32>} : memref<1024xf32, #tpu.memory_space<vmem>>, vector<16xf32>,
        tpu.vector_store %arg5[%swap3A_273], %broadcast_in_dim3A_3 {strides = array<i32>} : memref<1024xf32, #tpu.memory_space<vmem>>, vector<16xf32>,
        %scan3A_275 = arith.constant 15 : i32
        %scan3A_276 = arith.addi %scan3A_186, %scan3A_275 : i32
        %mul3A_277 = arith.constant 16 : i32
        %mul3A_278 = arith.muli %scan3A_276, %mul3A_277 : i32
        %swap3A_279 = arith.index_cast %mul3A_278 : i32 to index
        %swap3A_280 = tpu.vector_load %arg5[%swap3A_279] {strides = array<i32>} : memref<1024xf32, #tpu.memory_space<vmem>>, vector<16xf32>,
        tpu.vector_store %arg5[%swap3A_279], %broadcast_in_dim3A_3 {strides = array<i32>} : memref<1024xf32, #tpu.memory_space<vmem>>, vector<16xf32>,
      }
      %scan3A_10 = arith.constant 64 : i32
      %eq3A = arith.constant 1 : i32
      %eq3A_11 = vector.broadcast %eq3A : i32 to vector<16xi32>
      %eq3A_12 = arith.cmpi eq, %iota3A, %eq3A_11 : vector<16xi32>
      %jit3A = arith.constant 5.000000e-01 : f32
      %jit3A_13 = arith.constant 0.000000e+00 : f32
      %broadcast_in_dim3A_14 = vector.broadcast %jit3A : f32 to vector<16xf32>
      %broadcast_in_dim3A_15 = vector.broadcast %jit3A_13 : f32 to vector<16xf32>
      %select_n3A = arith.select %eq3A_12, %broadcast_in_dim3A_14, %broadcast_in_dim3A_15 : vector<16xi1>, vector<16xf32>
      %swap3A = arith.constant 0 : index
      %swap3A_16 = tpu.vector_load %arg5[%swap3A] {strides = array<i32>} : memref<1024xf32, #tpu.memory_space<vmem>>, vector<16xf32>,
      tpu.vector_store %arg5[%swap3A], %select_n3A {strides = array<i32>} : memref<1024xf32, #tpu.memory_space<vmem>>, vector<16xf32>,
      %scan3A_17 = arith.constant 0 : i32
      %scan3A_18 = arith.constant 0 : i32
      %scan3A_19 = arith.constant 128 : i32
      %scan3A_20 = arith.addi %scan3A_18, %scan3A_19 : i32
      %scan3A_21 = arith.constant 8 : i32
      scf.for %scan3A_186 = %scan3A_18 to %scan3A_20 step %scan3A_21  : i32 {
        %mul3A_187 = arith.constant 16 : i32
        %mul3A_188 = arith.muli %scan3A_186, %mul3A_187 : i32
        %get3A = arith.index_cast %mul3A_188 : i32 to index
        %get3A_189 = tpu.vector_load %arg4[%get3A] {strides = array<i32>} : memref<2048xi32, #tpu.memory_space<vmem>>, vector<16xi32>,
        %ne3A = arith.constant 0 : i32
        %ne3A_190 = vector.broadcast %ne3A : i32 to vector<16xi32>
        %ne3A_191 = arith.cmpi ne, %get3A_189, %ne3A_190 : vector<16xi32>
        %ne3A_192 = arith.constant 1 : i32
        %ne3A_193 = vector.broadcast %ne3A_192 : i32 to vector<16xi32>
        %ne3A_194 = arith.cmpi ne, %get3A_189, %ne3A_193 : vector<16xi32>
        %and3A = arith.andi %ne3A_191, %ne3A_194 : vector<16xi1>
        tpu.vector_store_idx %arg5[%get3A_189], %broadcast_in_dim3A_5 masked %and3A {add = true} : memref<1024xf32, #tpu.memory_space<vmem>>[vector<16xi32>], vector<16xf32>, vector<16xi1>
        %scan3A_195 = arith.constant 1 : i32
        %scan3A_196 = arith.addi %scan3A_186, %scan3A_195 : i32
        %mul3A_197 = arith.constant 16 : i32
        %mul3A_198 = arith.muli %scan3A_196, %mul3A_197 : i32
        %get3A_199 = arith.index_cast %mul3A_198 : i32 to index
        %get3A_200 = tpu.vector_load %arg4[%get3A_199] {strides = array<i32>} : memref<2048xi32, #tpu.memory_space<vmem>>, vector<16xi32>,
        %ne3A_201 = arith.constant 0 : i32
        %ne3A_202 = vector.broadcast %ne3A_201 : i32 to vector<16xi32>
        %ne3A_203 = arith.cmpi ne, %get3A_200, %ne3A_202 : vector<16xi32>
        %ne3A_204 = arith.constant 1 : i32
        %ne3A_205 = vector.broadcast %ne3A_204 : i32 to vector<16xi32>
        %ne3A_206 = arith.cmpi ne, %get3A_200, %ne3A_205 : vector<16xi32>
        %and3A_207 = arith.andi %ne3A_203, %ne3A_206 : vector<16xi1>
        tpu.vector_store_idx %arg5[%get3A_200], %broadcast_in_dim3A_5 masked %and3A_207 {add = true} : memref<1024xf32, #tpu.memory_space<vmem>>[vector<16xi32>], vector<16xf32>, vector<16xi1>
        %scan3A_208 = arith.constant 2 : i32
        %scan3A_209 = arith.addi %scan3A_186, %scan3A_208 : i32
        %mul3A_210 = arith.constant 16 : i32
        %mul3A_211 = arith.muli %scan3A_209, %mul3A_210 : i32
        %get3A_212 = arith.index_cast %mul3A_211 : i32 to index
        %get3A_213 = tpu.vector_load %arg4[%get3A_212] {strides = array<i32>} : memref<2048xi32, #tpu.memory_space<vmem>>, vector<16xi32>,
        %ne3A_214 = arith.constant 0 : i32
        %ne3A_215 = vector.broadcast %ne3A_214 : i32 to vector<16xi32>
        %ne3A_216 = arith.cmpi ne, %get3A_213, %ne3A_215 : vector<16xi32>
        %ne3A_217 = arith.constant 1 : i32
        %ne3A_218 = vector.broadcast %ne3A_217 : i32 to vector<16xi32>
        %ne3A_219 = arith.cmpi ne, %get3A_213, %ne3A_218 : vector<16xi32>
        %and3A_220 = arith.andi %ne3A_216, %ne3A_219 : vector<16xi1>
        tpu.vector_store_idx %arg5[%get3A_213], %broadcast_in_dim3A_5 masked %and3A_220 {add = true} : memref<1024xf32, #tpu.memory_space<vmem>>[vector<16xi32>], vector<16xf32>, vector<16xi1>
        %scan3A_221 = arith.constant 3 : i32
        %scan3A_222 = arith.addi %scan3A_186, %scan3A_221 : i32
        %mul3A_223 = arith.constant 16 : i32
        %mul3A_224 = arith.muli %scan3A_222, %mul3A_223 : i32
        %get3A_225 = arith.index_cast %mul3A_224 : i32 to index
        %get3A_226 = tpu.vector_load %arg4[%get3A_225] {strides = array<i32>} : memref<2048xi32, #tpu.memory_space<vmem>>, vector<16xi32>,
        %ne3A_227 = arith.constant 0 : i32
        %ne3A_228 = vector.broadcast %ne3A_227 : i32 to vector<16xi32>
        %ne3A_229 = arith.cmpi ne, %get3A_226, %ne3A_228 : vector<16xi32>
        %ne3A_230 = arith.constant 1 : i32
        %ne3A_231 = vector.broadcast %ne3A_230 : i32 to vector<16xi32>
        %ne3A_232 = arith.cmpi ne, %get3A_226, %ne3A_231 : vector<16xi32>
        %and3A_233 = arith.andi %ne3A_229, %ne3A_232 : vector<16xi1>
        tpu.vector_store_idx %arg5[%get3A_226], %broadcast_in_dim3A_5 masked %and3A_233 {add = true} : memref<1024xf32, #tpu.memory_space<vmem>>[vector<16xi32>], vector<16xf32>, vector<16xi1>
        %scan3A_234 = arith.constant 4 : i32
        %scan3A_235 = arith.addi %scan3A_186, %scan3A_234 : i32
        %mul3A_236 = arith.constant 16 : i32
        %mul3A_237 = arith.muli %scan3A_235, %mul3A_236 : i32
        %get3A_238 = arith.index_cast %mul3A_237 : i32 to index
        %get3A_239 = tpu.vector_load %arg4[%get3A_238] {strides = array<i32>} : memref<2048xi32, #tpu.memory_space<vmem>>, vector<16xi32>,
        %ne3A_240 = arith.constant 0 : i32
        %ne3A_241 = vector.broadcast %ne3A_240 : i32 to vector<16xi32>
        %ne3A_242 = arith.cmpi ne, %get3A_239, %ne3A_241 : vector<16xi32>
        %ne3A_243 = arith.constant 1 : i32
        %ne3A_244 = vector.broadcast %ne3A_243 : i32 to vector<16xi32>
        %ne3A_245 = arith.cmpi ne, %get3A_239, %ne3A_244 : vector<16xi32>
        %and3A_246 = arith.andi %ne3A_242, %ne3A_245 : vector<16xi1>
        tpu.vector_store_idx %arg5[%get3A_239], %broadcast_in_dim3A_5 masked %and3A_246 {add = true} : memref<1024xf32, #tpu.memory_space<vmem>>[vector<16xi32>], vector<16xf32>, vector<16xi1>
        %scan3A_247 = arith.constant 5 : i32
        %scan3A_248 = arith.addi %scan3A_186, %scan3A_247 : i32
        %mul3A_249 = arith.constant 16 : i32
        %mul3A_250 = arith.muli %scan3A_248, %mul3A_249 : i32
        %get3A_251 = arith.index_cast %mul3A_250 : i32 to index
        %get3A_252 = tpu.vector_load %arg4[%get3A_251] {strides = array<i32>} : memref<2048xi32, #tpu.memory_space<vmem>>, vector<16xi32>,
        %ne3A_253 = arith.constant 0 : i32
        %ne3A_254 = vector.broadcast %ne3A_253 : i32 to vector<16xi32>
        %ne3A_255 = arith.cmpi ne, %get3A_252, %ne3A_254 : vector<16xi32>
        %ne3A_256 = arith.constant 1 : i32
        %ne3A_257 = vector.broadcast %ne3A_256 : i32 to vector<16xi32>
        %ne3A_258 = arith.cmpi ne, %get3A_252, %ne3A_257 : vector<16xi32>
        %and3A_259 = arith.andi %ne3A_255, %ne3A_258 : vector<16xi1>
        tpu.vector_store_idx %arg5[%get3A_252], %broadcast_in_dim3A_5 masked %and3A_259 {add = true} : memref<1024xf32, #tpu.memory_space<vmem>>[vector<16xi32>], vector<16xf32>, vector<16xi1>
        %scan3A_260 = arith.constant 6 : i32
        %scan3A_261 = arith.addi %scan3A_186, %scan3A_260 : i32
        %mul3A_262 = arith.constant 16 : i32
        %mul3A_263 = arith.muli %scan3A_261, %mul3A_262 : i32
        %get3A_264 = arith.index_cast %mul3A_263 : i32 to index
        %get3A_265 = tpu.vector_load %arg4[%get3A_264] {strides = array<i32>} : memref<2048xi32, #tpu.memory_space<vmem>>, vector<16xi32>,
        %ne3A_266 = arith.constant 0 : i32
        %ne3A_267 = vector.broadcast %ne3A_266 : i32 to vector<16xi32>
        %ne3A_268 = arith.cmpi ne, %get3A_265, %ne3A_267 : vector<16xi32>
        %ne3A_269 = arith.constant 1 : i32
        %ne3A_270 = vector.broadcast %ne3A_269 : i32 to vector<16xi32>
        %ne3A_271 = arith.cmpi ne, %get3A_265, %ne3A_270 : vector<16xi32>
        %and3A_272 = arith.andi %ne3A_268, %ne3A_271 : vector<16xi1>
        tpu.vector_store_idx %arg5[%get3A_265], %broadcast_in_dim3A_5 masked %and3A_272 {add = true} : memref<1024xf32, #tpu.memory_space<vmem>>[vector<16xi32>], vector<16xf32>, vector<16xi1>
        %scan3A_273 = arith.constant 7 : i32
        %scan3A_274 = arith.addi %scan3A_186, %scan3A_273 : i32
        %mul3A_275 = arith.constant 16 : i32
        %mul3A_276 = arith.muli %scan3A_274, %mul3A_275 : i32
        %get3A_277 = arith.index_cast %mul3A_276 : i32 to index
        %get3A_278 = tpu.vector_load %arg4[%get3A_277] {strides = array<i32>} : memref<2048xi32, #tpu.memory_space<vmem>>, vector<16xi32>,
        %ne3A_279 = arith.constant 0 : i32
        %ne3A_280 = vector.broadcast %ne3A_279 : i32 to vector<16xi32>
        %ne3A_281 = arith.cmpi ne, %get3A_278, %ne3A_280 : vector<16xi32>
        %ne3A_282 = arith.constant 1 : i32
        %ne3A_283 = vector.broadcast %ne3A_282 : i32 to vector<16xi32>
        %ne3A_284 = arith.cmpi ne, %get3A_278, %ne3A_283 : vector<16xi32>
        %and3A_285 = arith.andi %ne3A_281, %ne3A_284 : vector<16xi1>
        tpu.vector_store_idx %arg5[%get3A_278], %broadcast_in_dim3A_5 masked %and3A_285 {add = true} : memref<1024xf32, #tpu.memory_space<vmem>>[vector<16xi32>], vector<16xf32>, vector<16xi1>
      }
      %scan3A_22 = arith.constant 128 : i32
      %broadcast_in_dim3A_23 = arith.constant -1.000000e+00 : f32
      %broadcast_in_dim3A_24 = vector.broadcast %broadcast_in_dim3A_23 : f32 to vector<16xf32>
      %broadcast_in_dim3A_25 = arith.constant 0 : i32
      %broadcast_in_dim3A_26 = vector.broadcast %broadcast_in_dim3A_25 : i32 to vector<16xi32>
      %scan3A_27 = arith.constant 0 : i32
      %scan3A_28 = arith.constant 64 : i32
      %scan3A_29 = arith.addi %scan3A_27, %scan3A_28 : i32
      %scan3A_30 = arith.constant 4 : i32
      %scan3A_31:2 = scf.for %scan3A_186 = %scan3A_27 to %scan3A_29 step %scan3A_30 iter_args(%scan3A_187 = %broadcast_in_dim3A_24, %scan3A_188 = %broadcast_in_dim3A_26) -> (vector<16xf32>, vector<16xi32>)  : i32 {
        %mul3A_189 = arith.constant 16 : i32
        %mul3A_190 = arith.muli %scan3A_186, %mul3A_189 : i32
        %get3A = arith.index_cast %mul3A_190 : i32 to index
        %get3A_191 = tpu.vector_load %arg5[%get3A] {strides = array<i32>} : memref<1024xf32, #tpu.memory_space<vmem>>, vector<16xf32>,
        %mul3A_192 = arith.constant 16 : i32
        %mul3A_193 = arith.muli %scan3A_186, %mul3A_192 : i32
        %add3A_194 = vector.broadcast %mul3A_193 : i32 to vector<16xi32>
        %add3A_195 = arith.addi %add3A_194, %iota3A : vector<16xi32>
        %gt3A = arith.cmpf ogt, %get3A_191, %scan3A_187 : vector<16xf32>
        %select_n3A_196 = arith.select %gt3A, %get3A_191, %scan3A_187 : vector<16xi1>, vector<16xf32>
        %select_n3A_197 = arith.select %gt3A, %add3A_195, %scan3A_188 : vector<16xi1>, vector<16xi32>
        %scan3A_198 = arith.constant 1 : i32
        %scan3A_199 = arith.addi %scan3A_186, %scan3A_198 : i32
        %mul3A_200 = arith.constant 16 : i32
        %mul3A_201 = arith.muli %scan3A_199, %mul3A_200 : i32
        %get3A_202 = arith.index_cast %mul3A_201 : i32 to index
        %get3A_203 = tpu.vector_load %arg5[%get3A_202] {strides = array<i32>} : memref<1024xf32, #tpu.memory_space<vmem>>, vector<16xf32>,
        %mul3A_204 = arith.constant 16 : i32
        %mul3A_205 = arith.muli %scan3A_199, %mul3A_204 : i32
        %add3A_206 = vector.broadcast %mul3A_205 : i32 to vector<16xi32>
        %add3A_207 = arith.addi %add3A_206, %iota3A : vector<16xi32>
        %gt3A_208 = arith.cmpf ogt, %get3A_203, %select_n3A_196 : vector<16xf32>
        %select_n3A_209 = arith.select %gt3A_208, %get3A_203, %select_n3A_196 : vector<16xi1>, vector<16xf32>
        %select_n3A_210 = arith.select %gt3A_208, %add3A_207, %select_n3A_197 : vector<16xi1>, vector<16xi32>
        %scan3A_211 = arith.constant 2 : i32
        %scan3A_212 = arith.addi %scan3A_186, %scan3A_211 : i32
        %mul3A_213 = arith.constant 16 : i32
        %mul3A_214 = arith.muli %scan3A_212, %mul3A_213 : i32
        %get3A_215 = arith.index_cast %mul3A_214 : i32 to index
        %get3A_216 = tpu.vector_load %arg5[%get3A_215] {strides = array<i32>} : memref<1024xf32, #tpu.memory_space<vmem>>, vector<16xf32>,
        %mul3A_217 = arith.constant 16 : i32
        %mul3A_218 = arith.muli %scan3A_212, %mul3A_217 : i32
        %add3A_219 = vector.broadcast %mul3A_218 : i32 to vector<16xi32>
        %add3A_220 = arith.addi %add3A_219, %iota3A : vector<16xi32>
        %gt3A_221 = arith.cmpf ogt, %get3A_216, %select_n3A_209 : vector<16xf32>
        %select_n3A_222 = arith.select %gt3A_221, %get3A_216, %select_n3A_209 : vector<16xi1>, vector<16xf32>
        %select_n3A_223 = arith.select %gt3A_221, %add3A_220, %select_n3A_210 : vector<16xi1>, vector<16xi32>
        %scan3A_224 = arith.constant 3 : i32
        %scan3A_225 = arith.addi %scan3A_186, %scan3A_224 : i32
        %mul3A_226 = arith.constant 16 : i32
        %mul3A_227 = arith.muli %scan3A_225, %mul3A_226 : i32
        %get3A_228 = arith.index_cast %mul3A_227 : i32 to index
        %get3A_229 = tpu.vector_load %arg5[%get3A_228] {strides = array<i32>} : memref<1024xf32, #tpu.memory_space<vmem>>, vector<16xf32>,
        %mul3A_230 = arith.constant 16 : i32
        %mul3A_231 = arith.muli %scan3A_225, %mul3A_230 : i32
        %add3A_232 = vector.broadcast %mul3A_231 : i32 to vector<16xi32>
        %add3A_233 = arith.addi %add3A_232, %iota3A : vector<16xi32>
        %gt3A_234 = arith.cmpf ogt, %get3A_229, %select_n3A_222 : vector<16xf32>
        %select_n3A_235 = arith.select %gt3A_234, %get3A_229, %select_n3A_222 : vector<16xi1>, vector<16xf32>
        %select_n3A_236 = arith.select %gt3A_234, %add3A_233, %select_n3A_223 : vector<16xi1>, vector<16xi32>
        scf.yield %select_n3A_235, %select_n3A_236 : vector<16xf32>, vector<16xi32>
      }
      %scan3A_32 = arith.constant 64 : i32
      %reduce_max3A = arith.constant true
      %reduce_max3A_33 = vector.broadcast %reduce_max3A : i1 to vector<16xi1>
      %reduce_max3A_34 = tpu.scan <max>, %scan3A_31#0 masked %reduce_max3A_33 : vector<16xf32>, vector<16xi1> -> vector<16xf32>
      %reduce_max3A_35 = vector.extract %reduce_max3A_34[15] : f32 from vector<16xf32>
      %eq3A_36 = vector.broadcast %reduce_max3A_35 : f32 to vector<16xf32>
      %eq3A_37 = arith.cmpf oeq, %scan3A_31#0, %eq3A_36 : vector<16xf32>
      %jit3A_38 = arith.constant 1073741824 : i32
      %broadcast_in_dim3A_39 = vector.broadcast %jit3A_38 : i32 to vector<16xi32>
      %select_n3A_40 = arith.select %eq3A_37, %scan3A_31#1, %broadcast_in_dim3A_39 : vector<16xi1>, vector<16xi32>
      %reduce_min3A = arith.constant true
      %reduce_min3A_41 = vector.broadcast %reduce_min3A : i1 to vector<16xi1>
      %reduce_min3A_42 = arith.constant -2147483648 : i32
      %reduce_min3A_43 = vector.broadcast %reduce_min3A_42 : i32 to vector<16xi32>
      %reduce_min3A_44 = arith.xori %select_n3A_40, %reduce_min3A_43 : vector<16xi32>
      %reduce_min3A_45 = tpu.scan <min>, %reduce_min3A_44 masked %reduce_min3A_41 : vector<16xi32>, vector<16xi1> -> vector<16xi32>
      %reduce_min3A_46 = arith.xori %reduce_min3A_45, %reduce_min3A_43 : vector<16xi32>
      %reduce_min3A_47 = vector.extract %reduce_min3A_46[15] : i32 from vector<16xi32>
      %broadcast_in_dim3A_48 = arith.constant -6.000000e+00 : f32
      %broadcast_in_dim3A_49 = vector.broadcast %broadcast_in_dim3A_48 : f32 to vector<16xf32>
      %swap3A_50 = arith.constant 0 : index
      %swap3A_51 = tpu.vector_load %arg6[%swap3A_50] {strides = array<i32>} : memref<1024xf32, #tpu.memory_space<vmem>>, vector<16xf32>,
      tpu.vector_store %arg6[%swap3A_50], %broadcast_in_dim3A_49 {strides = array<i32>} : memref<1024xf32, #tpu.memory_space<vmem>>, vector<16xf32>,
      %swap3A_52 = arith.constant 16 : index
      %swap3A_53 = tpu.vector_load %arg6[%swap3A_52] {strides = array<i32>} : memref<1024xf32, #tpu.memory_space<vmem>>, vector<16xf32>,
      tpu.vector_store %arg6[%swap3A_52], %broadcast_in_dim3A_49 {strides = array<i32>} : memref<1024xf32, #tpu.memory_space<vmem>>, vector<16xf32>,
      %swap3A_54 = arith.constant 32 : index
      %swap3A_55 = tpu.vector_load %arg6[%swap3A_54] {strides = array<i32>} : memref<1024xf32, #tpu.memory_space<vmem>>, vector<16xf32>,
      tpu.vector_store %arg6[%swap3A_54], %broadcast_in_dim3A_49 {strides = array<i32>} : memref<1024xf32, #tpu.memory_space<vmem>>, vector<16xf32>,
      %swap3A_56 = arith.constant 48 : index
      %swap3A_57 = tpu.vector_load %arg6[%swap3A_56] {strides = array<i32>} : memref<1024xf32, #tpu.memory_space<vmem>>, vector<16xf32>,
      tpu.vector_store %arg6[%swap3A_56], %broadcast_in_dim3A_49 {strides = array<i32>} : memref<1024xf32, #tpu.memory_space<vmem>>, vector<16xf32>,
      %swap3A_58 = arith.constant 64 : index
      %swap3A_59 = tpu.vector_load %arg6[%swap3A_58] {strides = array<i32>} : memref<1024xf32, #tpu.memory_space<vmem>>, vector<16xf32>,
      tpu.vector_store %arg6[%swap3A_58], %broadcast_in_dim3A_49 {strides = array<i32>} : memref<1024xf32, #tpu.memory_space<vmem>>, vector<16xf32>,
      %swap3A_60 = arith.constant 80 : index
      %swap3A_61 = tpu.vector_load %arg6[%swap3A_60] {strides = array<i32>} : memref<1024xf32, #tpu.memory_space<vmem>>, vector<16xf32>,
      tpu.vector_store %arg6[%swap3A_60], %broadcast_in_dim3A_49 {strides = array<i32>} : memref<1024xf32, #tpu.memory_space<vmem>>, vector<16xf32>,
      %swap3A_62 = arith.constant 96 : index
      %swap3A_63 = tpu.vector_load %arg6[%swap3A_62] {strides = array<i32>} : memref<1024xf32, #tpu.memory_space<vmem>>, vector<16xf32>,
      tpu.vector_store %arg6[%swap3A_62], %broadcast_in_dim3A_49 {strides = array<i32>} : memref<1024xf32, #tpu.memory_space<vmem>>, vector<16xf32>,
      %swap3A_64 = arith.constant 112 : index
      %swap3A_65 = tpu.vector_load %arg6[%swap3A_64] {strides = array<i32>} : memref<1024xf32, #tpu.memory_space<vmem>>, vector<16xf32>,
      tpu.vector_store %arg6[%swap3A_64], %broadcast_in_dim3A_49 {strides = array<i32>} : memref<1024xf32, #tpu.memory_space<vmem>>, vector<16xf32>,
      %swap3A_66 = arith.constant 128 : index
      %swap3A_67 = tpu.vector_load %arg6[%swap3A_66] {strides = array<i32>} : memref<1024xf32, #tpu.memory_space<vmem>>, vector<16xf32>,
      tpu.vector_store %arg6[%swap3A_66], %broadcast_in_dim3A_49 {strides = array<i32>} : memref<1024xf32, #tpu.memory_space<vmem>>, vector<16xf32>,
      %swap3A_68 = arith.constant 144 : index
      %swap3A_69 = tpu.vector_load %arg6[%swap3A_68] {strides = array<i32>} : memref<1024xf32, #tpu.memory_space<vmem>>, vector<16xf32>,
      tpu.vector_store %arg6[%swap3A_68], %broadcast_in_dim3A_49 {strides = array<i32>} : memref<1024xf32, #tpu.memory_space<vmem>>, vector<16xf32>,
      %swap3A_70 = arith.constant 160 : index
      %swap3A_71 = tpu.vector_load %arg6[%swap3A_70] {strides = array<i32>} : memref<1024xf32, #tpu.memory_space<vmem>>, vector<16xf32>,
      tpu.vector_store %arg6[%swap3A_70], %broadcast_in_dim3A_49 {strides = array<i32>} : memref<1024xf32, #tpu.memory_space<vmem>>, vector<16xf32>,
      %swap3A_72 = arith.constant 176 : index
      %swap3A_73 = tpu.vector_load %arg6[%swap3A_72] {strides = array<i32>} : memref<1024xf32, #tpu.memory_space<vmem>>, vector<16xf32>,
      tpu.vector_store %arg6[%swap3A_72], %broadcast_in_dim3A_49 {strides = array<i32>} : memref<1024xf32, #tpu.memory_space<vmem>>, vector<16xf32>,
      %swap3A_74 = arith.constant 192 : index
      %swap3A_75 = tpu.vector_load %arg6[%swap3A_74] {strides = array<i32>} : memref<1024xf32, #tpu.memory_space<vmem>>, vector<16xf32>,
      tpu.vector_store %arg6[%swap3A_74], %broadcast_in_dim3A_49 {strides = array<i32>} : memref<1024xf32, #tpu.memory_space<vmem>>, vector<16xf32>,
      %swap3A_76 = arith.constant 208 : index
      %swap3A_77 = tpu.vector_load %arg6[%swap3A_76] {strides = array<i32>} : memref<1024xf32, #tpu.memory_space<vmem>>, vector<16xf32>,
      tpu.vector_store %arg6[%swap3A_76], %broadcast_in_dim3A_49 {strides = array<i32>} : memref<1024xf32, #tpu.memory_space<vmem>>, vector<16xf32>,
      %swap3A_78 = arith.constant 224 : index
      %swap3A_79 = tpu.vector_load %arg6[%swap3A_78] {strides = array<i32>} : memref<1024xf32, #tpu.memory_space<vmem>>, vector<16xf32>,
      tpu.vector_store %arg6[%swap3A_78], %broadcast_in_dim3A_49 {strides = array<i32>} : memref<1024xf32, #tpu.memory_space<vmem>>, vector<16xf32>,
      %swap3A_80 = arith.constant 240 : index
      %swap3A_81 = tpu.vector_load %arg6[%swap3A_80] {strides = array<i32>} : memref<1024xf32, #tpu.memory_space<vmem>>, vector<16xf32>,
      tpu.vector_store %arg6[%swap3A_80], %broadcast_in_dim3A_49 {strides = array<i32>} : memref<1024xf32, #tpu.memory_space<vmem>>, vector<16xf32>,
      %swap3A_82 = arith.constant 256 : index
      %swap3A_83 = tpu.vector_load %arg6[%swap3A_82] {strides = array<i32>} : memref<1024xf32, #tpu.memory_space<vmem>>, vector<16xf32>,
      tpu.vector_store %arg6[%swap3A_82], %broadcast_in_dim3A_49 {strides = array<i32>} : memref<1024xf32, #tpu.memory_space<vmem>>, vector<16xf32>,
      %swap3A_84 = arith.constant 272 : index
      %swap3A_85 = tpu.vector_load %arg6[%swap3A_84] {strides = array<i32>} : memref<1024xf32, #tpu.memory_space<vmem>>, vector<16xf32>,
      tpu.vector_store %arg6[%swap3A_84], %broadcast_in_dim3A_49 {strides = array<i32>} : memref<1024xf32, #tpu.memory_space<vmem>>, vector<16xf32>,
      %swap3A_86 = arith.constant 288 : index
      %swap3A_87 = tpu.vector_load %arg6[%swap3A_86] {strides = array<i32>} : memref<1024xf32, #tpu.memory_space<vmem>>, vector<16xf32>,
      tpu.vector_store %arg6[%swap3A_86], %broadcast_in_dim3A_49 {strides = array<i32>} : memref<1024xf32, #tpu.memory_space<vmem>>, vector<16xf32>,
      %swap3A_88 = arith.constant 304 : index
      %swap3A_89 = tpu.vector_load %arg6[%swap3A_88] {strides = array<i32>} : memref<1024xf32, #tpu.memory_space<vmem>>, vector<16xf32>,
      tpu.vector_store %arg6[%swap3A_88], %broadcast_in_dim3A_49 {strides = array<i32>} : memref<1024xf32, #tpu.memory_space<vmem>>, vector<16xf32>,
      %swap3A_90 = arith.constant 320 : index
      %swap3A_91 = tpu.vector_load %arg6[%swap3A_90] {strides = array<i32>} : memref<1024xf32, #tpu.memory_space<vmem>>, vector<16xf32>,
      tpu.vector_store %arg6[%swap3A_90], %broadcast_in_dim3A_49 {strides = array<i32>} : memref<1024xf32, #tpu.memory_space<vmem>>, vector<16xf32>,
      %swap3A_92 = arith.constant 336 : index
      %swap3A_93 = tpu.vector_load %arg6[%swap3A_92] {strides = array<i32>} : memref<1024xf32, #tpu.memory_space<vmem>>, vector<16xf32>,
      tpu.vector_store %arg6[%swap3A_92], %broadcast_in_dim3A_49 {strides = array<i32>} : memref<1024xf32, #tpu.memory_space<vmem>>, vector<16xf32>,
      %swap3A_94 = arith.constant 352 : index
      %swap3A_95 = tpu.vector_load %arg6[%swap3A_94] {strides = array<i32>} : memref<1024xf32, #tpu.memory_space<vmem>>, vector<16xf32>,
      tpu.vector_store %arg6[%swap3A_94], %broadcast_in_dim3A_49 {strides = array<i32>} : memref<1024xf32, #tpu.memory_space<vmem>>, vector<16xf32>,
      %swap3A_96 = arith.constant 368 : index
      %swap3A_97 = tpu.vector_load %arg6[%swap3A_96] {strides = array<i32>} : memref<1024xf32, #tpu.memory_space<vmem>>, vector<16xf32>,
      tpu.vector_store %arg6[%swap3A_96], %broadcast_in_dim3A_49 {strides = array<i32>} : memref<1024xf32, #tpu.memory_space<vmem>>, vector<16xf32>,
      %swap3A_98 = arith.constant 384 : index
      %swap3A_99 = tpu.vector_load %arg6[%swap3A_98] {strides = array<i32>} : memref<1024xf32, #tpu.memory_space<vmem>>, vector<16xf32>,
      tpu.vector_store %arg6[%swap3A_98], %broadcast_in_dim3A_49 {strides = array<i32>} : memref<1024xf32, #tpu.memory_space<vmem>>, vector<16xf32>,
      %swap3A_100 = arith.constant 400 : index
      %swap3A_101 = tpu.vector_load %arg6[%swap3A_100] {strides = array<i32>} : memref<1024xf32, #tpu.memory_space<vmem>>, vector<16xf32>,
      tpu.vector_store %arg6[%swap3A_100], %broadcast_in_dim3A_49 {strides = array<i32>} : memref<1024xf32, #tpu.memory_space<vmem>>, vector<16xf32>,
      %swap3A_102 = arith.constant 416 : index
      %swap3A_103 = tpu.vector_load %arg6[%swap3A_102] {strides = array<i32>} : memref<1024xf32, #tpu.memory_space<vmem>>, vector<16xf32>,
      tpu.vector_store %arg6[%swap3A_102], %broadcast_in_dim3A_49 {strides = array<i32>} : memref<1024xf32, #tpu.memory_space<vmem>>, vector<16xf32>,
      %swap3A_104 = arith.constant 432 : index
      %swap3A_105 = tpu.vector_load %arg6[%swap3A_104] {strides = array<i32>} : memref<1024xf32, #tpu.memory_space<vmem>>, vector<16xf32>,
      tpu.vector_store %arg6[%swap3A_104], %broadcast_in_dim3A_49 {strides = array<i32>} : memref<1024xf32, #tpu.memory_space<vmem>>, vector<16xf32>,
      %swap3A_106 = arith.constant 448 : index
      %swap3A_107 = tpu.vector_load %arg6[%swap3A_106] {strides = array<i32>} : memref<1024xf32, #tpu.memory_space<vmem>>, vector<16xf32>,
      tpu.vector_store %arg6[%swap3A_106], %broadcast_in_dim3A_49 {strides = array<i32>} : memref<1024xf32, #tpu.memory_space<vmem>>, vector<16xf32>,
      %swap3A_108 = arith.constant 464 : index
      %swap3A_109 = tpu.vector_load %arg6[%swap3A_108] {strides = array<i32>} : memref<1024xf32, #tpu.memory_space<vmem>>, vector<16xf32>,
      tpu.vector_store %arg6[%swap3A_108], %broadcast_in_dim3A_49 {strides = array<i32>} : memref<1024xf32, #tpu.memory_space<vmem>>, vector<16xf32>,
      %swap3A_110 = arith.constant 480 : index
      %swap3A_111 = tpu.vector_load %arg6[%swap3A_110] {strides = array<i32>} : memref<1024xf32, #tpu.memory_space<vmem>>, vector<16xf32>,
      tpu.vector_store %arg6[%swap3A_110], %broadcast_in_dim3A_49 {strides = array<i32>} : memref<1024xf32, #tpu.memory_space<vmem>>, vector<16xf32>,
      %swap3A_112 = arith.constant 496 : index
      %swap3A_113 = tpu.vector_load %arg6[%swap3A_112] {strides = array<i32>} : memref<1024xf32, #tpu.memory_space<vmem>>, vector<16xf32>,
      tpu.vector_store %arg6[%swap3A_112], %broadcast_in_dim3A_49 {strides = array<i32>} : memref<1024xf32, #tpu.memory_space<vmem>>, vector<16xf32>,
      %swap3A_114 = arith.constant 512 : index
      %swap3A_115 = tpu.vector_load %arg6[%swap3A_114] {strides = array<i32>} : memref<1024xf32, #tpu.memory_space<vmem>>, vector<16xf32>,
      tpu.vector_store %arg6[%swap3A_114], %broadcast_in_dim3A_49 {strides = array<i32>} : memref<1024xf32, #tpu.memory_space<vmem>>, vector<16xf32>,
      %swap3A_116 = arith.constant 528 : index
      %swap3A_117 = tpu.vector_load %arg6[%swap3A_116] {strides = array<i32>} : memref<1024xf32, #tpu.memory_space<vmem>>, vector<16xf32>,
      tpu.vector_store %arg6[%swap3A_116], %broadcast_in_dim3A_49 {strides = array<i32>} : memref<1024xf32, #tpu.memory_space<vmem>>, vector<16xf32>,
      %swap3A_118 = arith.constant 544 : index
      %swap3A_119 = tpu.vector_load %arg6[%swap3A_118] {strides = array<i32>} : memref<1024xf32, #tpu.memory_space<vmem>>, vector<16xf32>,
      tpu.vector_store %arg6[%swap3A_118], %broadcast_in_dim3A_49 {strides = array<i32>} : memref<1024xf32, #tpu.memory_space<vmem>>, vector<16xf32>,
      %swap3A_120 = arith.constant 560 : index
      %swap3A_121 = tpu.vector_load %arg6[%swap3A_120] {strides = array<i32>} : memref<1024xf32, #tpu.memory_space<vmem>>, vector<16xf32>,
      tpu.vector_store %arg6[%swap3A_120], %broadcast_in_dim3A_49 {strides = array<i32>} : memref<1024xf32, #tpu.memory_space<vmem>>, vector<16xf32>,
      %swap3A_122 = arith.constant 576 : index
      %swap3A_123 = tpu.vector_load %arg6[%swap3A_122] {strides = array<i32>} : memref<1024xf32, #tpu.memory_space<vmem>>, vector<16xf32>,
      tpu.vector_store %arg6[%swap3A_122], %broadcast_in_dim3A_49 {strides = array<i32>} : memref<1024xf32, #tpu.memory_space<vmem>>, vector<16xf32>,
      %swap3A_124 = arith.constant 592 : index
      %swap3A_125 = tpu.vector_load %arg6[%swap3A_124] {strides = array<i32>} : memref<1024xf32, #tpu.memory_space<vmem>>, vector<16xf32>,
      tpu.vector_store %arg6[%swap3A_124], %broadcast_in_dim3A_49 {strides = array<i32>} : memref<1024xf32, #tpu.memory_space<vmem>>, vector<16xf32>,
      %swap3A_126 = arith.constant 608 : index
      %swap3A_127 = tpu.vector_load %arg6[%swap3A_126] {strides = array<i32>} : memref<1024xf32, #tpu.memory_space<vmem>>, vector<16xf32>,
      tpu.vector_store %arg6[%swap3A_126], %broadcast_in_dim3A_49 {strides = array<i32>} : memref<1024xf32, #tpu.memory_space<vmem>>, vector<16xf32>,
      %swap3A_128 = arith.constant 624 : index
      %swap3A_129 = tpu.vector_load %arg6[%swap3A_128] {strides = array<i32>} : memref<1024xf32, #tpu.memory_space<vmem>>, vector<16xf32>,
      tpu.vector_store %arg6[%swap3A_128], %broadcast_in_dim3A_49 {strides = array<i32>} : memref<1024xf32, #tpu.memory_space<vmem>>, vector<16xf32>,
      %swap3A_130 = arith.constant 640 : index
      %swap3A_131 = tpu.vector_load %arg6[%swap3A_130] {strides = array<i32>} : memref<1024xf32, #tpu.memory_space<vmem>>, vector<16xf32>,
      tpu.vector_store %arg6[%swap3A_130], %broadcast_in_dim3A_49 {strides = array<i32>} : memref<1024xf32, #tpu.memory_space<vmem>>, vector<16xf32>,
      %swap3A_132 = arith.constant 656 : index
      %swap3A_133 = tpu.vector_load %arg6[%swap3A_132] {strides = array<i32>} : memref<1024xf32, #tpu.memory_space<vmem>>, vector<16xf32>,
      tpu.vector_store %arg6[%swap3A_132], %broadcast_in_dim3A_49 {strides = array<i32>} : memref<1024xf32, #tpu.memory_space<vmem>>, vector<16xf32>,
      %swap3A_134 = arith.constant 672 : index
      %swap3A_135 = tpu.vector_load %arg6[%swap3A_134] {strides = array<i32>} : memref<1024xf32, #tpu.memory_space<vmem>>, vector<16xf32>,
      tpu.vector_store %arg6[%swap3A_134], %broadcast_in_dim3A_49 {strides = array<i32>} : memref<1024xf32, #tpu.memory_space<vmem>>, vector<16xf32>,
      %swap3A_136 = arith.constant 688 : index
      %swap3A_137 = tpu.vector_load %arg6[%swap3A_136] {strides = array<i32>} : memref<1024xf32, #tpu.memory_space<vmem>>, vector<16xf32>,
      tpu.vector_store %arg6[%swap3A_136], %broadcast_in_dim3A_49 {strides = array<i32>} : memref<1024xf32, #tpu.memory_space<vmem>>, vector<16xf32>,
      %swap3A_138 = arith.constant 704 : index
      %swap3A_139 = tpu.vector_load %arg6[%swap3A_138] {strides = array<i32>} : memref<1024xf32, #tpu.memory_space<vmem>>, vector<16xf32>,
      tpu.vector_store %arg6[%swap3A_138], %broadcast_in_dim3A_49 {strides = array<i32>} : memref<1024xf32, #tpu.memory_space<vmem>>, vector<16xf32>,
      %swap3A_140 = arith.constant 720 : index
      %swap3A_141 = tpu.vector_load %arg6[%swap3A_140] {strides = array<i32>} : memref<1024xf32, #tpu.memory_space<vmem>>, vector<16xf32>,
      tpu.vector_store %arg6[%swap3A_140], %broadcast_in_dim3A_49 {strides = array<i32>} : memref<1024xf32, #tpu.memory_space<vmem>>, vector<16xf32>,
      %swap3A_142 = arith.constant 736 : index
      %swap3A_143 = tpu.vector_load %arg6[%swap3A_142] {strides = array<i32>} : memref<1024xf32, #tpu.memory_space<vmem>>, vector<16xf32>,
      tpu.vector_store %arg6[%swap3A_142], %broadcast_in_dim3A_49 {strides = array<i32>} : memref<1024xf32, #tpu.memory_space<vmem>>, vector<16xf32>,
      %swap3A_144 = arith.constant 752 : index
      %swap3A_145 = tpu.vector_load %arg6[%swap3A_144] {strides = array<i32>} : memref<1024xf32, #tpu.memory_space<vmem>>, vector<16xf32>,
      tpu.vector_store %arg6[%swap3A_144], %broadcast_in_dim3A_49 {strides = array<i32>} : memref<1024xf32, #tpu.memory_space<vmem>>, vector<16xf32>,
      %swap3A_146 = arith.constant 768 : index
      %swap3A_147 = tpu.vector_load %arg6[%swap3A_146] {strides = array<i32>} : memref<1024xf32, #tpu.memory_space<vmem>>, vector<16xf32>,
      tpu.vector_store %arg6[%swap3A_146], %broadcast_in_dim3A_49 {strides = array<i32>} : memref<1024xf32, #tpu.memory_space<vmem>>, vector<16xf32>,
      %swap3A_148 = arith.constant 784 : index
      %swap3A_149 = tpu.vector_load %arg6[%swap3A_148] {strides = array<i32>} : memref<1024xf32, #tpu.memory_space<vmem>>, vector<16xf32>,
      tpu.vector_store %arg6[%swap3A_148], %broadcast_in_dim3A_49 {strides = array<i32>} : memref<1024xf32, #tpu.memory_space<vmem>>, vector<16xf32>,
      %swap3A_150 = arith.constant 800 : index
      %swap3A_151 = tpu.vector_load %arg6[%swap3A_150] {strides = array<i32>} : memref<1024xf32, #tpu.memory_space<vmem>>, vector<16xf32>,
      tpu.vector_store %arg6[%swap3A_150], %broadcast_in_dim3A_49 {strides = array<i32>} : memref<1024xf32, #tpu.memory_space<vmem>>, vector<16xf32>,
      %swap3A_152 = arith.constant 816 : index
      %swap3A_153 = tpu.vector_load %arg6[%swap3A_152] {strides = array<i32>} : memref<1024xf32, #tpu.memory_space<vmem>>, vector<16xf32>,
      tpu.vector_store %arg6[%swap3A_152], %broadcast_in_dim3A_49 {strides = array<i32>} : memref<1024xf32, #tpu.memory_space<vmem>>, vector<16xf32>,
      %swap3A_154 = arith.constant 832 : index
      %swap3A_155 = tpu.vector_load %arg6[%swap3A_154] {strides = array<i32>} : memref<1024xf32, #tpu.memory_space<vmem>>, vector<16xf32>,
      tpu.vector_store %arg6[%swap3A_154], %broadcast_in_dim3A_49 {strides = array<i32>} : memref<1024xf32, #tpu.memory_space<vmem>>, vector<16xf32>,
      %swap3A_156 = arith.constant 848 : index
      %swap3A_157 = tpu.vector_load %arg6[%swap3A_156] {strides = array<i32>} : memref<1024xf32, #tpu.memory_space<vmem>>, vector<16xf32>,
      tpu.vector_store %arg6[%swap3A_156], %broadcast_in_dim3A_49 {strides = array<i32>} : memref<1024xf32, #tpu.memory_space<vmem>>, vector<16xf32>,
      %swap3A_158 = arith.constant 864 : index
      %swap3A_159 = tpu.vector_load %arg6[%swap3A_158] {strides = array<i32>} : memref<1024xf32, #tpu.memory_space<vmem>>, vector<16xf32>,
      tpu.vector_store %arg6[%swap3A_158], %broadcast_in_dim3A_49 {strides = array<i32>} : memref<1024xf32, #tpu.memory_space<vmem>>, vector<16xf32>,
      %swap3A_160 = arith.constant 880 : index
      %swap3A_161 = tpu.vector_load %arg6[%swap3A_160] {strides = array<i32>} : memref<1024xf32, #tpu.memory_space<vmem>>, vector<16xf32>,
      tpu.vector_store %arg6[%swap3A_160], %broadcast_in_dim3A_49 {strides = array<i32>} : memref<1024xf32, #tpu.memory_space<vmem>>, vector<16xf32>,
      %swap3A_162 = arith.constant 896 : index
      %swap3A_163 = tpu.vector_load %arg6[%swap3A_162] {strides = array<i32>} : memref<1024xf32, #tpu.memory_space<vmem>>, vector<16xf32>,
      tpu.vector_store %arg6[%swap3A_162], %broadcast_in_dim3A_49 {strides = array<i32>} : memref<1024xf32, #tpu.memory_space<vmem>>, vector<16xf32>,
      %swap3A_164 = arith.constant 912 : index
      %swap3A_165 = tpu.vector_load %arg6[%swap3A_164] {strides = array<i32>} : memref<1024xf32, #tpu.memory_space<vmem>>, vector<16xf32>,
      tpu.vector_store %arg6[%swap3A_164], %broadcast_in_dim3A_49 {strides = array<i32>} : memref<1024xf32, #tpu.memory_space<vmem>>, vector<16xf32>,
      %swap3A_166 = arith.constant 928 : index
      %swap3A_167 = tpu.vector_load %arg6[%swap3A_166] {strides = array<i32>} : memref<1024xf32, #tpu.memory_space<vmem>>, vector<16xf32>,
      tpu.vector_store %arg6[%swap3A_166], %broadcast_in_dim3A_49 {strides = array<i32>} : memref<1024xf32, #tpu.memory_space<vmem>>, vector<16xf32>,
      %swap3A_168 = arith.constant 944 : index
      %swap3A_169 = tpu.vector_load %arg6[%swap3A_168] {strides = array<i32>} : memref<1024xf32, #tpu.memory_space<vmem>>, vector<16xf32>,
      tpu.vector_store %arg6[%swap3A_168], %broadcast_in_dim3A_49 {strides = array<i32>} : memref<1024xf32, #tpu.memory_space<vmem>>, vector<16xf32>,
      %swap3A_170 = arith.constant 960 : index
      %swap3A_171 = tpu.vector_load %arg6[%swap3A_170] {strides = array<i32>} : memref<1024xf32, #tpu.memory_space<vmem>>, vector<16xf32>,
      tpu.vector_store %arg6[%swap3A_170], %broadcast_in_dim3A_49 {strides = array<i32>} : memref<1024xf32, #tpu.memory_space<vmem>>, vector<16xf32>,
      %swap3A_172 = arith.constant 976 : index
      %swap3A_173 = tpu.vector_load %arg6[%swap3A_172] {strides = array<i32>} : memref<1024xf32, #tpu.memory_space<vmem>>, vector<16xf32>,
      tpu.vector_store %arg6[%swap3A_172], %broadcast_in_dim3A_49 {strides = array<i32>} : memref<1024xf32, #tpu.memory_space<vmem>>, vector<16xf32>,
      %swap3A_174 = arith.constant 992 : index
      %swap3A_175 = tpu.vector_load %arg6[%swap3A_174] {strides = array<i32>} : memref<1024xf32, #tpu.memory_space<vmem>>, vector<16xf32>,
      tpu.vector_store %arg6[%swap3A_174], %broadcast_in_dim3A_49 {strides = array<i32>} : memref<1024xf32, #tpu.memory_space<vmem>>, vector<16xf32>,
      %swap3A_176 = arith.constant 1008 : index
      %swap3A_177 = tpu.vector_load %arg6[%swap3A_176] {strides = array<i32>} : memref<1024xf32, #tpu.memory_space<vmem>>, vector<16xf32>,
      tpu.vector_store %arg6[%swap3A_176], %broadcast_in_dim3A_49 {strides = array<i32>} : memref<1024xf32, #tpu.memory_space<vmem>>, vector<16xf32>,
      %broadcast_in_dim3A_178 = vector.broadcast %reduce_min3A_47 : i32 to vector<16xi32>
      %broadcast_in_dim3A_179 = arith.constant 6.000000e+00 : f32
      %broadcast_in_dim3A_180 = vector.broadcast %broadcast_in_dim3A_179 : f32 to vector<16xf32>
      %eq3A_181 = arith.constant 0 : i32
      %eq3A_182 = vector.broadcast %eq3A_181 : i32 to vector<16xi32>
      %eq3A_183 = arith.cmpi eq, %iota3A, %eq3A_182 : vector<16xi32>
      tpu.vector_store_idx %arg6[%broadcast_in_dim3A_178], %broadcast_in_dim3A_180 masked %eq3A_183 : memref<1024xf32, #tpu.memory_space<vmem>>[vector<16xi32>], vector<16xf32>, vector<16xi1>
      %mul3A_184 = arith.constant 1024 : i32
      %mul3A_185 = arith.muli %add3A, %mul3A_184 : i32
      "tpu.region"() ({
        %run_scoped3A = tpu.sem_alloc : memref<!tpu.dma_semaphore, #tpu.memory_space<semaphore_mem>>
        %dma_start3A = tpu.memref_slice %arg3[%mul3A_185] : memref<16384xf32, #tpu.memory_space<hbm>> -> memref<1024xf32, #tpu.memory_space<hbm>>
        %dma_start3A_186 = tpu.memref_slice %arg3[%mul3A_185] : memref<16384xf32, #tpu.memory_space<hbm>> -> memref<1024xf32, #tpu.memory_space<hbm>>
        tpu.enqueue_dma source(%arg6 : memref<1024xf32, #tpu.memory_space<vmem>>) target(%dma_start3A_186 : memref<1024xf32, #tpu.memory_space<hbm>>) target_semaphore(%run_scoped3A : memref<!tpu.dma_semaphore, #tpu.memory_space<semaphore_mem>>)
        %dma_wait3A = tpu.memref_slice %arg3[%mul3A_185] : memref<16384xf32, #tpu.memory_space<hbm>> -> memref<1024xf32, #tpu.memory_space<hbm>>
        %dma_wait3A_187 = tpu.memref_slice %arg3[%mul3A_185] : memref<16384xf32, #tpu.memory_space<hbm>> -> memref<1024xf32, #tpu.memory_space<hbm>>
        tpu.wait_dma2 semaphore(%run_scoped3A : memref<!tpu.dma_semaphore, #tpu.memory_space<semaphore_mem>>) src(%arg6 : memref<1024xf32, #tpu.memory_space<vmem>>) dst(%dma_wait3A_187 : memref<1024xf32, #tpu.memory_space<hbm>>)
        tpu.yield
      }) : () -> ()
    } else {
    }
    return
  }
}

</mosaic_0001>

<sc_bundles>
// kernel: kernel.3.cloned.1.call-start
scs
__scs_entry_jumppad:
0x0: {  	(pc) =	sbr.rel $0x88, $3  }
0x1: {  	(tag) =	ssettag $0x0;
	lr =	simm.s32 $0x1  }
0x2: {  	[smem:$0x3FA0] =	sst lr;
	_ =	strace $0xD0000000  }
0x3: {  	_ = 	snop  }
0x4: {  	_ = 	snop  }
0x5: {  	_ = 	snop  }
0x6: {  	_ = 	snop  }
0x7: {  	_ = 	snop  }
__scs_overlays_trampoline_lowered:
0x8: {  	[smem:$0x3FAF] =	sst s0  }
0x9: {  	[smem:$0x3FB0] =	sst s1  }
0xa: {  	[smem:$0x3FB1] =	sst s2  }
0xb: {  	[smem:$0x3FB2] =	sst s3  }
0xc: {  	[smem:$0x3FB3] =	sst s4  }
0xd: {  	[smem:$0x3FB4] =	sst s5  }
0xe: {  	[smem:$0x3FB5] =	sst s6  }
0xf: {  	[smem:$0x3FB6] =	sst s7  }
0x10: {  	[smem:$0x3FB7] =	sst s8  }
0x11: {  	[smem:$0x3FB8] =	sst s9;
	s0 =	simm.s32 @!p0 $0x0  }
0x12: {  	s1 =	sld [smem:$0x3F9E];
	s0 =	simm.s32 @p0 $0x1  }
0x13: {  	[smem:$0x3FB9] =	sst s0;
	s0 =	simm.s32 @!p1 $0x0  }
0x14: {  	s2 =	sld [smem:$0x3F9D];
	s0 =	simm.s32 @p1 $0x1  }
0x15: {  	[smem:$0x3FBA] =	sst s0;
	s0 =	simm.s32 @!p2 $0x0  }
0x16: {  	s3 =	sld [smem:$0x3FDB];
	s0 =	simm.s32 @p2 $0x1  }
0x17: {  	s4 =	simm.s32 $0x1BF5;
	[smem:$0x3FBC] =	sst s0  }
0x18: {  	s0 =	sld [smem:$0x3F9F];
	_ =	swait.ge [sflag:s4], $0x0  }
0x19: {  	s7 =	sld [smem:$0x3FA0]  }
0x1a: {  	s8 =	sadd.s32 $0xFFFFE003, lr  }
0x1b: {  	s9 =	sadd.s32 $0xFFFFFEF7, lr;
	s5 =	simm.s32 $0xFFFFFFFF;
	p2 =	slt.u32 s8, $0xFFFFF086  }
0x1c: {  	p1 =	slt.u32 s9, $0xF7A;
	s5 =	simm.s32 @!p2 $0x0  }
0x1d: {  	s5 =	simm.s32 @p1 $0x1;
	p0 =	seq.s32 s7, s2  }
0x1e: {  	s7 =	smul.u32 @!p0 $0xF7A, s2;
	p2 =	seq.s32 @!p0 s5, $0x0  }
0x1f: {  	s9 =	smul.u32 $0xF7A, s1;
	s8 =	simm.s32 @!p0 $0x1BF5;
	p2 =	por !p2, p0  }
0x20: {  	[sflag:s8] =	ssyncset.s32 @!p0 $0xFFFFF086;
	s6 =	sadd.s32 @!p0 s3, s7;
	s7 =	simm.s32 @!p0 $0x108  }
0x21: {  	s3 =	sadd.s32 s3, s9;
	s6 =	sadd.s32 @!p0 $0x88, s6;
	s7 =	simm.s32 @p2 $0x1082  }
0x22: {  	[simem:s7], [sflag:s8] =	dma.local @!p0 [hbm:s6], $0xF7A  }
0x23: {  	s9 =	sor.u32 $0xD0000000, s2;
	s6 =	simm.s32 $0x108;
	_ =	swait.ge @!p0 [sflag:s8], $0x0  }
0x24: {  	s3 =	sadd.s32 $0x88, s3;
	s6 =	simm.s32 @!p1 $0x1082;
	[sflag:s4] =	ssyncset.s32 $0xFFFFF086  }
0x25: {  	[simem:s6], [sflag:s4] =	dma.local [hbm:s3], $0xF7A  }
0x26: {  	[smem:$0x3FA0] =	sst s1;
	(tag) =	ssettag s2;
	_ =	strace s9  }
0x27: {  	s1 =	sld [smem:$0x3FB0]  }
0x28: {  	s2 =	sld [smem:$0x3FB1]  }
0x29: {  	s4 =	sld [smem:$0x3FB3]  }
0x2a: {  	p0 =	seq.s32 s5, $0x0;
	s5 =	sld [smem:$0x3FB4]  }
0x2b: {  	s6 =	sld [smem:$0x3FB5]  }
0x2c: {  	s7 =	sld [smem:$0x3FB6]  }
0x2d: {  	s3 =	simm.s32 $0x108;
	s8 =	sld [smem:$0x3FB7]  }
0x2e: {  	s3 =	simm.s32 @!p0 $0x1082;
	s9 =	sld [smem:$0x3FB8]  }
0x2f: {  	lr =	sadd.s32 s0, s3;
	s0 =	sld [smem:$0x3FAF]  }
0x30: {  	s3 =	sld [smem:$0x3FB2]  }
0x31: {  	[smem:$0x3FBB] =	sst s10  }
0x32: {  	s10 =	sld [smem:$0x3FB9];
	_ =	sdelay $0x3  }
0x33: {  	p0 =	seq.s32 s10, $0x1;
	s10 =	sld [smem:$0x3FBB];
	_ =	sdelay $0x3  }
0x34: {  	[smem:$0x3FBB] =	sst s10  }
0x35: {  	s10 =	sld [smem:$0x3FBA];
	_ =	sdelay $0x3  }
0x36: {  	p1 =	seq.s32 s10, $0x1;
	s10 =	sld [smem:$0x3FBB];
	_ =	sdelay $0x3  }
0x37: {  	[smem:$0x3FBB] =	sst s10  }
0x38: {  	s10 =	sld [smem:$0x3FBC]  }
0x39: {  	_ = 	snop;
	(pc) =	sbr.ind lr, $3  }
0x3a: {  	_ = 	snop  }
0x3b: {  	_ = 	snop  }
0x3c: {  	p2 =	seq.s32 s10, $0x1;
	s10 =	sld [smem:$0x3FBB]  }
0x3d: {  	_ =	shalt  }
0x3e: {  	_ =	shalt  }
0x3f: {  	_ =	shalt  }
0x40: {  	_ =	shalt  }
0x41: {  	_ =	shalt  }
0x42: {  	_ =	shalt  }
0x43: {  	_ =	shalt  }
0x44: {  	_ =	shalt  }
0x45: {  	_ =	shalt  }
0x46: {  	_ =	shalt  }
0x47: {  	_ =	shalt  }
0x48: {  	_ =	shalt  }
0x49: {  	_ =	shalt  }
0x4a: {  	_ =	shalt  }
0x4b: {  	_ =	shalt  }
0x4c: {  	_ =	shalt  }
0x4d: {  	_ =	shalt  }
0x4e: {  	_ =	shalt  }
0x4f: {  	_ =	shalt  }
0x50: {  	_ =	shalt  }
0x51: {  	_ =	shalt  }
0x52: {  	_ =	shalt  }
0x53: {  	_ =	shalt  }
0x54: {  	_ =	shalt  }
0x55: {  	_ =	shalt  }
0x56: {  	_ =	shalt  }
0x57: {  	_ =	shalt  }
0x58: {  	_ =	shalt  }
0x59: {  	_ =	shalt  }
0x5a: {  	_ =	shalt  }
0x5b: {  	_ =	shalt  }
0x5c: {  	_ =	shalt  }
0x5d: {  	_ =	shalt  }
0x5e: {  	_ =	shalt  }
0x5f: {  	_ =	shalt  }
0x60: {  	_ =	shalt  }
0x61: {  	_ =	shalt  }
0x62: {  	_ =	shalt  }
0x63: {  	_ =	shalt  }
0x64: {  	_ =	shalt  }
0x65: {  	_ =	shalt  }
0x66: {  	_ =	shalt  }
0x67: {  	_ =	shalt  }
0x68: {  	_ =	shalt  }
0x69: {  	_ =	shalt  }
0x6a: {  	_ =	shalt  }
0x6b: {  	_ =	shalt  }
0x6c: {  	_ =	shalt  }
0x6d: {  	_ =	shalt  }
0x6e: {  	_ =	shalt  }
0x6f: {  	_ =	shalt  }
0x70: {  	_ =	shalt  }
0x71: {  	_ =	shalt  }
0x72: {  	_ =	shalt  }
0x73: {  	_ =	shalt  }
0x74: {  	_ =	shalt  }
0x75: {  	_ =	shalt  }
0x76: {  	_ =	shalt  }
0x77: {  	_ =	shalt  }
0x78: {  	_ =	shalt  }
0x79: {  	_ =	shalt  }
0x7a: {  	_ =	shalt  }
0x7b: {  	_ =	shalt  }
0x7c: {  	_ =	shalt  }
0x7d: {  	_ =	shalt  }
0x7e: {  	_ =	shalt  }
0x7f: {  	_ =	shalt  }
0x80: {  	_ =	shalt  }
0x81: {  	_ =	shalt  }
0x82: {  	_ =	shalt  }
0x83: {  	_ =	shalt  }
0x84: {  	_ =	shalt  }
0x85: {  	_ =	shalt  }
0x86: {  	_ =	shalt  }
0x87: {  	_ =	shalt  }
.Lfunc_end0:
.L_simem_size_0:
called_computation_lowered:
.L_overlay_start_0:
0x88: {  	s2 =	sld [smem:$0x3FD9]  }
0x89: {  	s3 =	sld [smem:$0x3FFE];
	_ =	sdelay $0x1  }
0x8a: {  	s1 =	srdreg.scid  }
0x8b: {  	s0 =	sand.u32 $0x1, s1  }
0x8c: {  	s18 =	sshll.u32 s0, $0xA;
	s2 =	sadd.s32 s3, s2  }
0x8d: {  	s2 =	sadd.s32 s2, s18  }
0x8e: {  	[smem:$0x3FC7] =	sst s2  }
0x8f: {  	_ = 	snop  }
0x90: {  	s2 =	sld [smem:$0x3FC9]  }
0x91: {  	s19 =	sld [smem:$0x3FD0];
	(tm) =	ssettm $0x1  }
0x92: {  	s4 =	sld [smem:$0x3FFB];
	_ =	sdelay $0x3  }
0x93: {  	_ =	strace s4  }
0x94: {  	s4 =	sld [smem:$0x3FFC];
	_ =	sdelay $0x3  }
0x95: {  	_ =	strace s4  }
0x96: {  	s4 =	sld [smem:$0x3FFD];
	_ =	sdelay $0x3  }
0x97: {  	_ =	strace s4  }
0x98: {  	_ =	strace $0x8FFFFFFF  }
0x99: {  	s20 =	sld [smem:$0x3FDB];
	_ =	sdelay $0x1  }
0x9a: {  	s5 =	simm.s32 $_scs_section_size  }
0x9b: {  	s6 =	simm.s32 $_size__tile_overlayer_lowered;
	s7 =	simm.s32 $_tile_overlayer_lowered  }
0x9c: {  	s23 =	simm.s32 $0x1BFF;
	s22 =	sshll.u32 s7, $0x1;
	s4 =	sadd.s32 s5, s20  }
0x9d: {  	s8 =	simm.s32 $0x0;
	s21 =	sshll.u32 s6, $0x1;
	s6 =	sadd.s32 s22, s4  }
0x9e: {  	[timem:s8], [sflag:s23] =	dma.local [hbm:s6], s21  }
0x9f: {  	_ =	swait.ge [sflag:s23], s21  }
0xa0: {  	s5 =	ssub.s32 $0x0, s21;
	[sflag:s23] =	ssyncset.done $0x0  }
0xa1: {  	[sflag:s23] =	ssyncadd.s32 s5;
	_ =	sdelay $0x1  }
0xa2: {  	s24 =	simm.s32 $0x1B8B  }
0xa3: {  	_ =	swait.ge [sflag:s24], $0x1  }
0xa4: {  	[sflag:s24] =	ssyncset.done $0x0  }
0xa5: {  	s25 =	simm.s32 $0x1B8E;
	[sflag:s24] =	ssyncadd.s32 $0xFFFFFFFF  }
0xa6: {  	s26 =	simm.s32 $execute0_lowered;
	[smem:$0x3FD2] =	sst s25  }
0xa7: {  	s5 =	sshll.u32 s26, $0x1;
	_ =	strace $0x80000046;
	[dreg:$0x1] =	wrdreg $0xFFFFFFFF  }
0xa8: {  	s28 =	simm.s32 $_size_execute0_lowered;
	s4 =	sadd.s32 s4, s5;
	[dreg:$0x0] =	wrdreg $0x0  }
0xa9: {  	s5 =	sshll.u32 s28, $0x1;
	[dreg:$0x2] =	wrdreg s4  }
0xaa: {  	[dreg:$0x3] =	wrdreg s5  }
0xab: {  	[dreg:$0x4] =	wrdreg $0xC0  }
0xac: {  	_ =	task [dreg:s8], $0x5FFFF  }
0xad: {  	[dreg:$0x1] =	wrdreg $0xFFFFFFFF  }
0xae: {  	[dreg:$0x0] =	wrdreg $0x60  }
0xaf: {  	[dreg:$0x2] =	wrdreg s2  }
0xb0: {  	[dreg:$0x3] =	wrdreg s19  }
0xb1: {  	[dreg:$0x4] =	wrdreg $0x9  }
0xb2: {  	_ =	task.clear_ibuf [dreg:s8], $0x5FFFF;
	_ =	strace $0x90000046  }
0xb3: {  	s29 =	simm.s32 $0x9;
	_ =	strace $0x80000048  }
0xb4: {  	_ =	swait.ge [sflag:s29], $0x1  }
0xb5: {  	[sflag:s29] =	ssyncadd.s32 $0xFFFFFFFF  }
0xb6: {  	_ =	strace $0x90000048  }
0xb7: {  	_ =	sfence  }
0xb8: {  	s30 =	sld [smem:$0x0];
	_ =	sdelay $0x2  }
0xb9: {  	s31 =	sshll.u32 s1, $0xD;
	s1 =	sshrl.u32 s1, $0x2  }
0xba: {  	s3 =	sand.u32 $0x4000, s31;
	s1 =	sadd.s32 s1, s30  }
0xbb: {  	s0 =	sor.u32 s3, s0;
	s1 =	sshll.u32 s1, $0x11  }
0xbc: {  	s0 =	sor.u32 s1, s0  }
0xbd: {  	s0 =	sadd.s32 $0x8F2B, s0  }
0xbe: {  	[sflag:s0] =	ssyncadd.remote.s32 $0x1  }
0xbf: {  	_ =	sfence.sel $0xFFFF  }
0xc0: {  	[dreg:$0x0] =	wrdreg $0xFFFFFFFF;
	(pc) =	sbr.abs _section_cstart, $3  }
0xc1: {  	[dreg:$0x1] =	wrdreg $0xFFFFFFFF  }
0xc2: {  	_ =	task.clear_ibuf [dreg:s8], $0x2FFFF;
	_ =	strace $0x9FFFFFFF  }
0xc3: {  	(tm) =	ssettm $0x7FFFFFFF  }
tec
execute0_lowered:
.L_overlay_start_1:
0x0: {  	(tag) =	ssettag $0x1  }
0x1: {  	s1 =	stileid.u32  }
0x2: {  	p0 =	sgt.u32 s1, $0x7  }
.Ltmp0:
0x3: {  	_ = 	snop;
	(pc) =	sbr.rel @p0 .LBB2_7-.Ltmp0, $4  }
0x4: {  	s4 =	rddreg [dreg:$0x0]  }
0x5: {  	s3 =	rddreg [dreg:$0x1];
	s2 =	simm.s32 $0x0  }
0x6: {  	[smem:$0x7FF] =	sst s2  }
0x7: {  	s0 =	rddreg [dreg:$0x2];
	_ =	strace $0x80000047  }
0x8: {  	s5 =	srdreg.scid  }
0x9: {  	s6 =	sshll.u32 s1, $0x8;
	s31 =	sshll.u32 s1, $0xC;
	s5 =	sand.u32 $0x1, s5  }
0xa: {  	s9 =	simm.s32 $0x800;
	s10 =	simm.s32 $0xC00;
	s7 =	sshll.u32 s5, $0x7  }
0xb: {  	s11 =	simm.s32 $0x0;
	s5 =	ssub.s32 $0x2, s5;
	s6 =	sor.u32 s7, s6  }
0xc: {  	s16 =	simm.s32 $0xFFFFFFFC;
	s8 =	sshrl.u32 s5, $0x1;
	s7 =	sor.u32 s31, s6  }
0xd: {  	v0 =	vimm.f32 $0.0e+00;
	s5 =	ssub.s32 s5, s8;
	s3 =	sadd.s32 s3, s6;
	s7 =	sand.u32 $0x4380, s7  }
0xe: {  	vm0 =	vcmask $0x704;
	v2 =	vimm.f32 $1.000000000e+00;
	v3 =	vlaneseq.u32;
	s6 =	simm.s32 $0x80;
	s8 =	simm.s32 $0x1;
	s7 =	sshrl.u32 s7, $0x3  }
0xf: {  	v4 =	vimm.f32 $-6.000000000e+00;
	v5 =	vimm.f32 $6.000000000e+00;
	v1 =	vsel vm0, $0x3F000000, v0;
	s5 =	smax.u32 s5, $0x1;
	s4 =	sadd.s32 s4, s7;
	s7 =	simm.s32 $0x400  }
.LBB2_2:
0x10: {  	[tilespmem:s2], [sflag:$0x1] =	stream.strided.gather [hbm4b:s4+s6], $0x800, s7, s6, $0x38;
	[tilespmem:$0x1000] =	vst v63  }
0x11: {  	_ =	swait.ge [sflag:s8], $0x800  }
0x12: {  	[sflag:s8] =	ssyncset.done $0x0  }
0x13: {  	[sflag:s8] =	ssyncadd.s32 $0xFFFFF800  }
0x14: {  	[tilespmem:$0x810] =	vst v0  }
0x15: {  	[tilespmem:$0x820] =	vst v0  }
0x16: {  	[tilespmem:$0x830] =	vst v0  }
0x17: {  	[tilespmem:$0x840] =	vst v0  }
0x18: {  	[tilespmem:$0x850] =	vst v0  }
0x19: {  	[tilespmem:$0x860] =	vst v0  }
0x1a: {  	[tilespmem:$0x870] =	vst v0  }
0x1b: {  	[tilespmem:$0x880] =	vst v0  }
0x1c: {  	[tilespmem:$0x890] =	vst v0  }
0x1d: {  	[tilespmem:$0x8A0] =	vst v0  }
0x1e: {  	[tilespmem:$0x8B0] =	vst v0  }
0x1f: {  	[tilespmem:$0x8C0] =	vst v0  }
0x20: {  	[tilespmem:$0x8D0] =	vst v0  }
0x21: {  	[tilespmem:$0x8E0] =	vst v0  }
0x22: {  	[tilespmem:$0x8F0] =	vst v0  }
0x23: {  	[tilespmem:$0x900] =	vst v0  }
0x24: {  	[tilespmem:$0x910] =	vst v0  }
0x25: {  	[tilespmem:$0x920] =	vst v0  }
0x26: {  	[tilespmem:$0x930] =	vst v0  }
0x27: {  	[tilespmem:$0x940] =	vst v0  }
0x28: {  	[tilespmem:$0x950] =	vst v0  }
0x29: {  	[tilespmem:$0x960] =	vst v0  }
0x2a: {  	[tilespmem:$0x970] =	vst v0  }
0x2b: {  	[tilespmem:$0x980] =	vst v0  }
0x2c: {  	[tilespmem:$0x990] =	vst v0  }
0x2d: {  	[tilespmem:$0x9A0] =	vst v0  }
0x2e: {  	[tilespmem:$0x9B0] =	vst v0  }
0x2f: {  	[tilespmem:$0x9C0] =	vst v0  }
0x30: {  	[tilespmem:$0x9D0] =	vst v0  }
0x31: {  	[tilespmem:$0x9E0] =	vst v0  }
0x32: {  	[tilespmem:$0x9F0] =	vst v0  }
0x33: {  	[tilespmem:$0xA00] =	vst v0  }
0x34: {  	[tilespmem:$0xA10] =	vst v0  }
0x35: {  	[tilespmem:$0xA20] =	vst v0  }
0x36: {  	[tilespmem:$0xA30] =	vst v0  }
0x37: {  	[tilespmem:$0xA40] =	vst v0  }
0x38: {  	[tilespmem:$0xA50] =	vst v0  }
0x39: {  	[tilespmem:$0xA60] =	vst v0  }
0x3a: {  	[tilespmem:$0xA70] =	vst v0  }
0x3b: {  	[tilespmem:$0xA80] =	vst v0  }
0x3c: {  	[tilespmem:$0xA90] =	vst v0  }
0x3d: {  	[tilespmem:$0xAA0] =	vst v0  }
0x3e: {  	[tilespmem:$0xAB0] =	vst v0  }
0x3f: {  	[tilespmem:$0xAC0] =	vst v0  }
0x40: {  	[tilespmem:$0xAD0] =	vst v0  }
0x41: {  	[tilespmem:$0xAE0] =	vst v0  }
0x42: {  	[tilespmem:$0xAF0] =	vst v0  }
0x43: {  	[tilespmem:$0xB00] =	vst v0  }
0x44: {  	[tilespmem:$0xB10] =	vst v0  }
0x45: {  	[tilespmem:$0xB20] =	vst v0  }
0x46: {  	[tilespmem:$0xB30] =	vst v0  }
0x47: {  	[tilespmem:$0xB40] =	vst v0  }
0x48: {  	[tilespmem:$0xB50] =	vst v0  }
0x49: {  	[tilespmem:$0xB60] =	vst v0  }
0x4a: {  	[tilespmem:$0xB70] =	vst v0  }
0x4b: {  	[tilespmem:$0xB80] =	vst v0  }
0x4c: {  	[tilespmem:$0xB90] =	vst v0  }
0x4d: {  	[tilespmem:$0xBA0] =	vst v0  }
0x4e: {  	[tilespmem:$0xBB0] =	vst v0  }
0x4f: {  	[tilespmem:$0xBC0] =	vst v0  }
0x50: {  	[tilespmem:$0xBD0] =	vst v0  }
0x51: {  	[tilespmem:$0xBE0] =	vst v0  }
0x52: {  	[tilespmem:$0xBF0] =	vst v0  }
0x53: {  	s13 =	simm.s32 $0xFFFFFFF8;
	s14 =	simm.s32 $0x40;
	[tilespmem:$0x800] =	vst v1  }
.LBB2_3:
0x54: {  	v6 =	vld [tilespmem:s14+$0xFFFFFFC0];
	_ =	sdelay $0x4  }
0x55: {  	vm0 =	vgt.u32 v6, $0x1;
	_ =	sdelay $0x5  }
0x56: {  	[tilespmem:v6+s9+$0x0] =	vst.idx.add.f32.msk vm0, v2  }
0x57: {  	v6 =	vld [tilespmem:s14+$0xFFFFFFD0];
	_ =	sdelay $0x4  }
0x58: {  	vm9 =	vgt.u32 v6, $0x1;
	_ =	sdelay $0x5  }
0x59: {  	[tilespmem:v6+s9+$0x0] =	vst.idx.add.f32.msk vm9, v2  }
0x5a: {  	v6 =	vld [tilespmem:s14+$0xFFFFFFE0];
	_ =	sdelay $0x4  }
0x5b: {  	vm10 =	vgt.u32 v6, $0x1;
	_ =	sdelay $0x5  }
0x5c: {  	[tilespmem:v6+s9+$0x0] =	vst.idx.add.f32.msk vm10, v2  }
0x5d: {  	v6 =	vld [tilespmem:s14+$0xFFFFFFF0];
	_ =	sdelay $0x4  }
0x5e: {  	vm11 =	vgt.u32 v6, $0x1;
	_ =	sdelay $0x5  }
0x5f: {  	[tilespmem:v6+s9+$0x0] =	vst.idx.add.f32.msk vm11, v2  }
0x60: {  	v6 =	vld [tilespmem:s14+$0x0];
	_ =	sdelay $0x4  }
0x61: {  	vm12 =	vgt.u32 v6, $0x1;
	_ =	sdelay $0x5  }
0x62: {  	[tilespmem:v6+s9+$0x0] =	vst.idx.add.f32.msk vm12, v2  }
0x63: {  	v6 =	vld [tilespmem:s14+$0x10];
	_ =	sdelay $0x4  }
0x64: {  	vm13 =	vgt.u32 v6, $0x1;
	_ =	sdelay $0x5  }
0x65: {  	[tilespmem:v6+s9+$0x0] =	vst.idx.add.f32.msk vm13, v2  }
0x66: {  	v6 =	vld [tilespmem:s14+$0x20];
	_ =	sdelay $0x4  }
0x67: {  	vm14 =	vgt.u32 v6, $0x1;
	_ =	sdelay $0x5  }
0x68: {  	[tilespmem:v6+s9+$0x0] =	vst.idx.add.f32.msk vm14, v2  }
0x69: {  	v6 =	vld [tilespmem:s14+$0x30];
	_ =	sdelay $0x4  }
0x6a: {  	s13 =	sadd.s32 $0x8, s13;
	vm15 =	vgt.u32 v6, $0x1  }
0x6b: {  	p0 =	slt.u32 s13, $0x78  }
.Ltmp1:
0x6c: {  	_ = 	snop;
	(pc) =	sbr.rel @p0 .LBB2_3-.Ltmp1, $2  }
0x6d: {  	_ =	sdelay $0x2  }
0x6e: {  	v9 =	vimm.f32 $-1.000000000e+00;
	v8 =	vimm.s32 $0x0;
	s12 =	simm.s32 $0x0;
	s15 =	simm.s32 $0x820;
	s14 =	sadd.s32 $0x80, s14;
	[tilespmem:v6+s9+$0x0] =	vst.idx.add.f32.msk vm15, v2  }
0x6f: {  	v10 =	vld [tilespmem:s15+$0xFFFFFFE0];
	_ =	sdelay $0x1  }
0x70: {  	v7 =	vld [tilespmem:s15+$0xFFFFFFF0];
	_ =	sdelay $0x1  }
0x71: {  	v6 =	vld [tilespmem:s15+$0x0]  }
0x72: {  	v12 =	vor.u32 s12, v3;
	vm0 =	vgt.f32 v10, v9  }
0x73: {  	s14 =	sadd.s32 $0x10, s12;
	v11 =	vsel vm0, v10, v9;
	v9 =	vsel vm0, v12, v8;
	v8 =	vld [tilespmem:s15+$0x10]  }
0x74: {  	s13 =	sadd.s32 $0x4, s16;
	v10 =	vor.u32 s14, v3;
	s14 =	sadd.s32 $0x40, s15;
	vm0 =	vgt.f32 v7, v11  }
.LBB2_5:
0x75: {  	v12 =	vld [tilespmem:s14+$0xFFFFFFE0];
	s13 =	sadd.s32 $0x4, s13;
	v11 =	vsel vm0, v7, v11;
	v9 =	vsel vm0, v10, v9;
	s15 =	sadd.s32 $0x20, s12  }
0x76: {  	p0 =	slt.u32 s13, $0x3C;
	v10 =	vor.u32 s15, v3;
	vm0 =	vgt.f32 v6, v11  }
0x77: {  	s15 =	sadd.s32 $0x30, s12;
	v7 =	vld [tilespmem:s14+$0xFFFFFFF0];
	v11 =	vsel vm0, v6, v11;
	v9 =	vsel vm0, v10, v9  }
.Ltmp2:
0x78: {  	v10 =	vor.u32 s15, v3;
	vm0 =	vgt.f32 v8, v11;
	(pc) =	sbr.rel @p0 .LBB2_5-.Ltmp2, $4  }
0x79: {  	s12 =	sadd.s32 $0x40, s12;
	v6 =	vld [tilespmem:s14+$0x0];
	v8 =	vsel vm0, v8, v11;
	v9 =	vsel vm0, v10, v9  }
0x7a: {  	v10 =	vor.u32 s12, v3;
	vm0 =	vgt.f32 v12, v8  }
0x7b: {  	s15 =	sadd.s32 $0x10, s12;
	v11 =	vsel vm0, v12, v8;
	v9 =	vsel vm0, v10, v9;
	v8 =	vld [tilespmem:s14+$0x10]  }
0x7c: {  	v10 =	vor.u32 s15, v3;
	s14 =	sadd.s32 $0x40, s14;
	vm0 =	vgt.f32 v7, v11  }
0x7d: {  	[tilespmem:$0xC00] =	vst v4  }
0x7e: {  	[tilespmem:$0xC10] =	vst v4  }
0x7f: {  	[tilespmem:$0xC20] =	vst v4  }
0x80: {  	[tilespmem:$0xC30] =	vst v4  }
0x81: {  	[tilespmem:$0xC40] =	vst v4  }
0x82: {  	[tilespmem:$0xC50] =	vst v4  }
0x83: {  	[tilespmem:$0xC60] =	vst v4  }
0x84: {  	[tilespmem:$0xC70] =	vst v4  }
0x85: {  	[tilespmem:$0xC80] =	vst v4  }
0x86: {  	[tilespmem:$0xC90] =	vst v4  }
0x87: {  	[tilespmem:$0xCA0] =	vst v4  }
0x88: {  	[tilespmem:$0xCB0] =	vst v4  }
0x89: {  	[tilespmem:$0xCC0] =	vst v4  }
0x8a: {  	[tilespmem:$0xCD0] =	vst v4  }
0x8b: {  	[tilespmem:$0xCE0] =	vst v4  }
0x8c: {  	[tilespmem:$0xCF0] =	vst v4  }
0x8d: {  	[tilespmem:$0xD00] =	vst v4  }
0x8e: {  	[tilespmem:$0xD10] =	vst v4  }
0x8f: {  	[tilespmem:$0xD20] =	vst v4  }
0x90: {  	v7 =	vsel vm0, v7, v11;
	[tilespmem:$0xD30] =	vst v4  }
0x91: {  	[tilespmem:$0xD40] =	vst v4;
	vm1 =	vgt.f32 v6, v7  }
0x92: {  	[tilespmem:$0xD50] =	vst v4;
	v6 =	vsel vm1, v6, v7  }
0x93: {  	[tilespmem:$0xD60] =	vst v4;
	vm2 =	vgt.f32 v8, v6  }
0x94: {  	[tilespmem:$0xD70] =	vst v4;
	v6 =	vsel vm2, v8, v6  }
0x95: {  	[tilespmem:$0xD80] =	vst v4;
	(xrf0) =	vmax.scan.msk.f32 $0xffff, v6  }
0x96: {  	[tilespmem:$0xD90] =	vst v4  }
0x97: {  	[tilespmem:$0xDA0] =	vst v4  }
0x98: {  	[tilespmem:$0xDB0] =	vst v4  }
0x99: {  	[tilespmem:$0xDC0] =	vst v4  }
0x9a: {  	s13 =	sadd.s32 $0x20, s12;
	[tilespmem:$0xDD0] =	vst v4  }
0x9b: {  	s30 =	sadd.s32 $0x30, s12;
	[tilespmem:$0xDE0] =	vst v4;
	v61 =	vor.u32 s13, v3;
	v7 =	vsel vm0, v10, v9;
	v62, _, _ =	vpop (xrf0)  }
0x9c: {  	[tilespmem:$0xDF0] =	vst v4;
	v63 =	vor.u32 s30, v3;
	v7 =	vsel vm1, v61, v7;
	v9 =	vbroadcast v62, $0xF  }
0x9d: {  	[tilespmem:$0xE00] =	vst v4;
	v7 =	vsel vm2, v63, v7  }
0x9e: {  	[tilespmem:$0xE10] =	vst v4;
	vm15 =	veq.f32 v6, v9;
	v6 =	vxor.u32 $0x80000000, v7  }
0x9f: {  	[tilespmem:$0xE20] =	vst v4;
	v6 =	vnsel vm15, $0xC0000000, v6  }
0xa0: {  	[tilespmem:$0xE30] =	vst v4;
	(xrf0) =	vmin.scan.msk.u32 $0xffff, v6  }
0xa1: {  	[tilespmem:$0xE40] =	vst v4  }
0xa2: {  	[tilespmem:$0xE50] =	vst v4  }
0xa3: {  	[tilespmem:$0xE60] =	vst v4  }
0xa4: {  	[tilespmem:$0xE70] =	vst v4  }
0xa5: {  	[tilespmem:$0xE80] =	vst v4  }
0xa6: {  	[tilespmem:$0xE90] =	vst v4;
	v6, _, _ =	vpop (xrf0)  }
0xa7: {  	[tilespmem:$0xEA0] =	vst v4;
	(v2sf) =	vpush v6, $0xF  }
0xa8: {  	[tilespmem:$0xEB0] =	vst v4  }
0xa9: {  	[tilespmem:$0xEC0] =	vst v4  }
0xaa: {  	[tilespmem:$0xED0] =	vst v4  }
0xab: {  	[tilespmem:$0xEE0] =	vst v4  }
0xac: {  	[tilespmem:$0xEF0] =	vst v4  }
0xad: {  	[tilespmem:$0xF00] =	vst v4  }
0xae: {  	[tilespmem:$0xF10] =	vst v4  }
0xaf: {  	[tilespmem:$0xF20] =	vst v4  }
0xb0: {  	[tilespmem:$0xF30] =	vst v4  }
0xb1: {  	[tilespmem:$0xF40] =	vst v4  }
0xb2: {  	[tilespmem:$0xF50] =	vst v4  }
0xb3: {  	[tilespmem:$0xF60] =	vst v4  }
0xb4: {  	[tilespmem:$0xF70] =	vst v4  }
0xb5: {  	[tilespmem:$0xF80] =	vst v4  }
0xb6: {  	[tilespmem:$0xF90] =	vst v4;
	s31 =	spop (v2sf)  }
0xb7: {  	[tilespmem:$0xFA0] =	vst v4;
	s12 =	sxor.u32 $0x80000000, s31  }
0xb8: {  	[tilespmem:$0xFB0] =	vst v4;
	v6 =	vmov s12  }
0xb9: {  	[tilespmem:$0xFC0] =	vst v4  }
0xba: {  	[tilespmem:$0xFD0] =	vst v4  }
0xbb: {  	[tilespmem:$0xFE0] =	vst v4;
	s11 =	sadd.s32 $0x1, s11  }
0xbc: {  	[tilespmem:$0xFF0] =	vst v4;
	p0 =	sne.s32 s11, s5  }
.Ltmp3:
0xbd: {  	[tilespmem:v6+s10+$0x0] =	vst.idx.msk $0x1, v5;
	(pc) =	sbr.rel @p0 .LBB2_2-.Ltmp3, $4  }
0xbe: {  	[hbm4b:s3+s2] =	stream.linear.scatter [tilespmem:s10], [sflag:$0x1], $0x400, $0x38;
	[tilespmem:$0x1000] =	vst v63  }
0xbf: {  	_ =	swait.ge [sflag:s8], $0x400  }
0xc0: {  	[sflag:s8] =	ssyncset.done $0x0  }
0xc1: {  	[sflag:s8] =	ssyncadd.s32 $0xFFFFFC00  }
.LBB2_7:
0xc2: {  	_ =	sfence.sel $0x180000  }
0xc3: {  	[bflag:$0x0] =	sbarrier.arrive $0xFFFF  }
0xc4: {  	p0 =	sne.s32 s1, $0x0;
	_ =	strace $0x90000047  }
0xc5: {  	s0 =	sadd.s32 @!p0 $0x100000, s0;
	[bflag:$0x2] =	sbarrier.arrive $0xFFFF  }
0xc6: {  	[sflag:s0] =	ssyncadd.tile.s32 @!p0 $0x1;
	_ =	shalt  }
.Lfunc_end2:
_tile_overlayer_lowered:
.L_overlay_start_2:
0xc7: {  	(tag) =	ssettag $0x2  }
0xc8: {  	s0 =	rddreg [dreg:$0x0];
	s2 =	stileid.u32  }
0xc9: {  	s1 =	rddreg [dreg:$0x1];
	p0 =	sne.s32 s2, $0x0  }
0xca: {  	s3 =	rddreg [dreg:$0x2];
	[bflag:$0x3] =	sbarrier.arrive $0xFFFF;
	s2 =	simm.s32 @!p0 $0x1C01  }
0xcb: {  	[timem:s3], [sflag:s2] =	dma.local @!p0 [hbm:s0], s1  }
0xcc: {  	s0 =	simm.s32 @!p0 $0x1  }
0xcd: {  	_ =	swait.ge @!p0 [sflag:s0], s1  }
0xce: {  	s1 =	ssub.s32 @!p0 $0x0, s1;
	[sflag:s0] =	ssyncset.done @!p0 $0x0  }
0xcf: {  	[sflag:s0] =	ssyncadd.s32 @!p0 s1  }
0xd0: {  	[bflag:$0x3] =	sbarrier.arrive $0xFFFF  }
0xd1: {  	_ =	shalt  }

</sc_bundles>
